<compile_context>
chip_gen: v7x
topology: tpu7x:2x2x1
jax: 0.10.2.dev20260603
libtpu: 0.0.44.dev20260713+nightly
codegen_flags: <defaults>
</compile_context>

<pallas_src>
import functools

import jax
import jax.numpy as jnp
from jax import lax
from jax.experimental import pallas as pl
from jax.experimental.pallas import tpu as pltpu
from jax.experimental.pallas import tpu_sc as plsc

EPS = 1e-10
L = 16
NC = 2
NS = 16
NW = NC * NS
C = 1664


def _uniform01(x):
    x = x ^ lax.shift_right_logical(x, 16)
    x = x * jnp.int32(-2048144789)
    x = x ^ lax.shift_right_logical(x, 13)
    x = x * jnp.int32(-1028477387)
    x = x ^ lax.shift_right_logical(x, 16)
    bits = lax.shift_right_logical(x, 9) | jnp.int32(0x3F800000)
    return plsc.bitcast(bits, jnp.float32) - jnp.float32(1.0)


def _make_sc_call(n, et):
    assert et == L
    rpt = ((n + NW - 1) // NW + C - 1) // C * C
    nchunk = rpt // C
    groups = C // L
    last_base = (n - rpt) // 128 * 128
    tail_base = last_base + rpt
    ntail = n - tail_base
    assert 0 <= ntail < 128 and ntail % (2 * L) == 0 and groups % 4 == 0
    mesh = plsc.VectorSubcoreMesh(
        core_axis_name="c", subcore_axis_name="s", num_cores=NC,
        num_subcores=NS)

    @functools.partial(
        pl.kernel,
        out_type=(
            jax.ShapeDtypeStruct((NW * L,), jnp.float32),
            jax.ShapeDtypeStruct((L,), jnp.float32),
        ),
        mesh=mesh,
        compiler_params=pltpu.CompilerParams(needs_layout_passes=False),
        scratch_types=[
            pltpu.VMEM((L, 2 * C), jnp.float32),
            pltpu.VMEM((L, 128), jnp.float32),
            pltpu.VMEM((2 * L,), jnp.float32),
            pltpu.VMEM((2 * L,), jnp.float32),
            pltpu.VMEM((L,), jnp.float32),
            pltpu.VMEM((L,), jnp.float32),
            pltpu.SemaphoreType.DMA,
            pltpu.SemaphoreType.DMA,
        ],
    )
    def sc_call(edge_hbm, ntp_hbm, tail_hbm,
                parts_hbm, pnode_hbm,
                ring, first_v, table_v, ntp_v, red_v,
                scal_v, sem0, sem1):
        wid = lax.axis_index("s") * NC + lax.axis_index("c")
        base = jnp.minimum(wid * rpt, last_base)
        sems = (sem0, sem1)

        def half_off(chunk):
            return pl.multiple_of((chunk % 2) * C, 128)

        def issue(chunk, sem):
            pltpu.async_copy(
                edge_hbm.at[:, pl.ds(base + chunk * C, C)],
                ring.at[:, pl.ds(half_off(chunk), C)], sem)

        def wait(chunk, sem):
            pltpu.make_async_copy(
                edge_hbm.at[:, pl.ds(0, C)],
                ring.at[:, pl.ds(half_off(chunk), C)], sem).wait()

        issue(0, sem0)
        issue(1, sem1)
        pltpu.sync_copy(edge_hbm.at[:, pl.ds(0, 128)], first_v)

        lanes = lax.iota(jnp.int32, L)
        ones_f = jnp.ones((L,), jnp.float32)
        ones_i = jnp.ones((L,), jnp.int32)
        zeros_i = jnp.zeros((L,), jnp.int32)

        colsum = jnp.zeros((L,), jnp.float32)
        colprod = ones_f
        for j in range(L):
            c = first_v[j, pl.ds(0, L)]
            colsum = colsum + c
            colprod = colprod * c
        rinv = jnp.float32(1.0) / (colsum + EPS)
        r2 = rinv * rinv
        r4 = r2 * r2
        r8 = r4 * r4
        table_v[pl.ds(0, L)] = colprod * (r8 * r8)
        table_v[pl.ds(L, L)] = ones_f

        def group_factor(buf, rowbase, off):
            u = _uniform01(rowbase + off + lanes)
            cols = [buf[j, pl.ds(off, L)] for j in range(L)]
            prefs = [cols[0]]
            for j in range(1, L):
                prefs.append(prefs[-1] + cols[j])
            t = u * prefs[-1]
            bits = [jnp.where(pj < t, ones_i, zeros_i) for pj in prefs]
            while len(bits) > 1:
                bits = [bits[j] + bits[j + 1] for j in range(0, len(bits), 2)]
            return plsc.load_gather(table_v, [bits[0]])

        def pair_body(buf, rowbase, off0, g2, acc):
            f0 = group_factor(buf, rowbase, off0 + (2 * g2) * L)
            f1 = group_factor(buf, rowbase, off0 + (2 * g2 + 1) * L)
            return acc * (f0 * f1)

        def chunk_step(chunk, acc):
            @pl.when(chunk % 2 == 0)
            def _():
                wait(chunk, sem0)

            @pl.when(chunk % 2 == 1)
            def _():
                wait(chunk, sem1)

            rowbase = base + chunk * C
            off0 = half_off(chunk)
            acc = lax.fori_loop(
                0, groups // 2,
                lambda g2, a: pair_body(ring, rowbase, off0, g2, a), acc)
            nxt = chunk + 2

            @pl.when((nxt < nchunk) & (chunk % 2 == 0))
            def _():
                issue(nxt, sem0)

            @pl.when((nxt < nchunk) & (chunk % 2 == 1))
            def _():
                issue(nxt, sem1)

            return acc

        acc = lax.fori_loop(0, nchunk, chunk_step, ones_f)

        if ntail:
            @pl.when(wid == 1)
            def _():
                pltpu.sync_copy(tail_hbm, first_v)

            tacc = ones_f
            for k in range(128 - ntail, 128, L):
                tacc = tacc * group_factor(first_v, n - 128, k)
            acc = acc * jnp.where(
                jnp.broadcast_to(wid == 1, (L,)), tacc, ones_f)

        for s in (8, 4, 2, 1):
            red_v[...] = acc
            acc = acc * plsc.load_gather(red_v, [lanes ^ s])
        red_v[...] = acc
        pltpu.sync_copy(red_v, parts_hbm.at[pl.ds(wid * L, L)])

        @pl.when(wid == 0)
        def _():
            pltpu.sync_copy(ntp_hbm, ntp_v)
            a = ntp_v[pl.ds(0, L)]
            b = ntp_v[pl.ds(L, L)]
            sa = jnp.sum(a)
            s_tot = sa + jnp.sum(b)
            u = _uniform01(jnp.full((L,), n + 12345, jnp.int32))
            t = u * jnp.broadcast_to(s_tot, (L,))
            ca = plsc.cumsum(a)
            cb = plsc.cumsum(b) + jnp.broadcast_to(sa, (L,))
            cnt = (jnp.sum(jnp.where(ca < t, ones_i, zeros_i))
                   + jnp.sum(jnp.where(cb < t, ones_i, zeros_i)))
            idx = jnp.minimum(jnp.broadcast_to(cnt, (L,)), 2 * L - 1)
            sel = plsc.load_gather(ntp_v, [idx])
            scal_v[...] = sel / (jnp.broadcast_to(s_tot, (L,)) + EPS)
            pltpu.sync_copy(scal_v, pnode_hbm)

    return sc_call


def kernel(node_type_probs, edge_type_probs, w, node):
    n, et = edge_type_probs.shape
    edge_t = edge_type_probs.T
    tail = lax.slice(edge_t, (0, n - 128), (L, n))
    parts, pnode = _make_sc_call(n, et)(edge_t, node_type_probs, tail)
    p_edges = jnp.prod(parts)
    p_O_v = p_edges * pnode[0] + EPS
    w_k = w[node]
    n_i = jnp.float32(n)
    traj_len_minus_1 = jnp.float32(n)
    return n_i / traj_len_minus_1 * jnp.log(p_O_v) * w_k / jnp.float32(4)

# --- scband reference (transcript-rebuilt; emitter-appended) ---
"""Pipeline reference for scband-graph-arm-82368882803031 (READ-ONLY COPY).

The authoritative reference and input builder live on the scoring server;
editing this copy changes nothing except your own understanding.
"""

import jax, jax.numpy as jnp
import numpy as np

EPSILON = 1e-10


def setup_inputs(seed: int = 0) -> dict:
    key = jax.random.key(seed)
    k1, k2, k3 = jax.random.split(key, 3)
    N = 100000
    NT = 32
    ET = 16
    node_type_probs = jax.random.uniform(k1, (NT,), dtype=jnp.float32)
    edge_type_probs = jax.random.uniform(k2, (N, ET), dtype=jnp.float32)
    w = jax.random.uniform(k3, (N,), dtype=jnp.float32)
    return {"node_type_probs": node_type_probs, "edge_type_probs": edge_type_probs, "w": w, "node": 123}


def reference(node_type_probs, edge_type_probs, w, node):
    # Core GraphARM train-step sampling computation for one denoising step:
    #   node_type ~ Categorical(node_type_probs)
    #   new_connections ~ Multinomial(edge_type_probs, num_samples=1) per node
    #   p_edges = prod(edge_type_probs[new_connections])
    #   p_O_v = p_edges * node_type_probs[node_type] + eps
    #   loss = n_i / (len(trajectory)-1) * log(p_O_v) * w_k / M
    M = 4
    N = edge_type_probs.shape[0]
    key = jax.random.key(42)
    kn, ke = jax.random.split(key, 2)
    # normalize probs (torch Categorical / multinomial normalize internally)
    p_node = node_type_probs / (jnp.sum(node_type_probs) + EPSILON)
    p_edge = edge_type_probs / (jnp.sum(edge_type_probs, axis=-1, keepdims=True) + EPSILON)
    # Gumbel-max categorical sampling
    g_node = jax.random.gumbel(kn, p_node.shape, dtype=jnp.float32)
    node_type = jnp.argmax(jnp.log(p_node + EPSILON) + g_node)
    g_edge = jax.random.gumbel(ke, p_edge.shape, dtype=jnp.float32)
    new_connections = jnp.argmax(jnp.log(p_edge + EPSILON) + g_edge, axis=-1)  # [N]
    # torch advanced indexing edge_type_probs[new_connections] selects rows -> [N, ET]
    gathered = jnp.take(p_edge, new_connections, axis=0)
    p_edges = jnp.prod(gathered)
    p_O_v = p_edges * p_node[node_type] + EPSILON
    w_k = w[node]
    n_i = jnp.float32(N)
    traj_len_minus_1 = jnp.float32(N)  # trajectory has N+1 graphs
    loss = n_i / traj_len_minus_1 * jnp.log(p_O_v) * w_k / M
    return loss

if __name__ == "__main__":
    import jax
    _d = setup_inputs()
    print(jax.jit(kernel)(*tuple(_d.values())))

</pallas_src>

<mosaic_0001>
#map = affine_map<(d0, d1) -> (0, 0)>
#map1 = affine_map<(d0, d1) -> (0)>
module attributes {stable_mosaic.version = 14 : i64} {
  func.func @sc_call(%arg0: i32, %arg1: i32, %arg2: memref<16x100000xf32, #tpu.memory_space<hbm>>, %arg3: memref<32xf32, #tpu.memory_space<hbm>>, %arg4: memref<16x128xf32, #tpu.memory_space<hbm>>, %arg5: memref<512xf32, #tpu.memory_space<hbm>>, %arg6: memref<16xf32, #tpu.memory_space<hbm>>, %arg7: memref<16x3328xf32, #tpu.memory_space<vmem>>, %arg8: memref<16x128xf32, #tpu.memory_space<vmem>>, %arg9: memref<32xf32, #tpu.memory_space<vmem>>, %arg10: memref<32xf32, #tpu.memory_space<vmem>>, %arg11: memref<16xf32, #tpu.memory_space<vmem>>, %arg12: memref<16xf32, #tpu.memory_space<vmem>>, %arg13: memref<!tpu.dma_semaphore, #tpu.memory_space<semaphore_mem>>, %arg14: memref<!tpu.dma_semaphore, #tpu.memory_space<semaphore_mem>>) attributes {dimension_semantics = [#tpu.dimension_semantics<core_parallel>, #tpu.dimension_semantics<subcore_parallel>], iteration_bounds = array<i64: 2, 16>, scalar_prefetch = 0 : i64, scratch_operands = 8 : i64, tpu.core_type = #tpu.core_type<sc_vector_subcore>, window_params = [{transform_indices = #map}, {transform_indices = #map1}, {transform_indices = #map}, {transform_indices = #map1}, {transform_indices = #map1}]} {
    %mul3A = arith.constant 2 : i32
    %mul3A_0 = arith.muli %arg1, %mul3A : i32
    %add3A = arith.addi %mul3A_0, %arg0 : i32
    %mul3A_1 = arith.constant 3328 : i32
    %mul3A_2 = arith.muli %add3A, %mul3A_1 : i32
    %min3A = arith.constant 96640 : i32
    %min3A_3 = arith.minsi %mul3A_2, %min3A : i32
    %add3A_4 = arith.constant 0 : i32
    %add3A_5 = arith.addi %min3A_3, %add3A_4 : i32
    %multiple_of3A = arith.constant 0 : i32
    %multiple_of3A_6 = tpu.assume_multiple %multiple_of3A, 128 : i32
    %dma_start3A = arith.constant 0 : i32
    %dma_start3A_7 = tpu.memref_slice %arg7[%dma_start3A, %multiple_of3A_6] : memref<16x3328xf32, #tpu.memory_space<vmem>> -> memref<16x1664xf32, #tpu.memory_space<vmem>>
    %dma_start3A_8 = arith.constant 0 : i32
    %dma_start3A_9 = tpu.memref_slice %arg2[%dma_start3A_8, %add3A_5] : memref<16x100000xf32, #tpu.memory_space<hbm>> -> memref<16x1664xf32, #tpu.memory_space<hbm>>
    %dma_start3A_10 = arith.constant 0 : i32
    %dma_start3A_11 = tpu.memref_slice %arg7[%dma_start3A_10, %multiple_of3A_6] : memref<16x3328xf32, #tpu.memory_space<vmem>> -> memref<16x1664xf32, #tpu.memory_space<vmem>>
    %dma_start3A_12 = arith.constant 0 : i32
    %dma_start3A_13 = tpu.memref_slice %arg2[%dma_start3A_12, %add3A_5] : memref<16x100000xf32, #tpu.memory_space<hbm>> -> memref<16x1664xf32, #tpu.memory_space<hbm>>
    tpu.enqueue_dma source(%dma_start3A_13 : memref<16x1664xf32, #tpu.memory_space<hbm>>) target(%dma_start3A_11 : memref<16x1664xf32, #tpu.memory_space<vmem>>) target_semaphore(%arg13 : memref<!tpu.dma_semaphore, #tpu.memory_space<semaphore_mem>>)
    %add3A_14 = arith.constant 1664 : i32
    %add3A_15 = arith.addi %min3A_3, %add3A_14 : i32
    %multiple_of3A_16 = arith.constant 1664 : i32
    %multiple_of3A_17 = tpu.assume_multiple %multiple_of3A_16, 128 : i32
    %dma_start3A_18 = arith.constant 0 : i32
    %dma_start3A_19 = tpu.memref_slice %arg7[%dma_start3A_18, %multiple_of3A_17] : memref<16x3328xf32, #tpu.memory_space<vmem>> -> memref<16x1664xf32, #tpu.memory_space<vmem>>
    %dma_start3A_20 = arith.constant 0 : i32
    %dma_start3A_21 = tpu.memref_slice %arg2[%dma_start3A_20, %add3A_15] : memref<16x100000xf32, #tpu.memory_space<hbm>> -> memref<16x1664xf32, #tpu.memory_space<hbm>>
    %dma_start3A_22 = arith.constant 0 : i32
    %dma_start3A_23 = tpu.memref_slice %arg7[%dma_start3A_22, %multiple_of3A_17] : memref<16x3328xf32, #tpu.memory_space<vmem>> -> memref<16x1664xf32, #tpu.memory_space<vmem>>
    %dma_start3A_24 = arith.constant 0 : i32
    %dma_start3A_25 = tpu.memref_slice %arg2[%dma_start3A_24, %add3A_15] : memref<16x100000xf32, #tpu.memory_space<hbm>> -> memref<16x1664xf32, #tpu.memory_space<hbm>>
    tpu.enqueue_dma source(%dma_start3A_25 : memref<16x1664xf32, #tpu.memory_space<hbm>>) target(%dma_start3A_23 : memref<16x1664xf32, #tpu.memory_space<vmem>>) target_semaphore(%arg14 : memref<!tpu.dma_semaphore, #tpu.memory_space<semaphore_mem>>)
    "tpu.region"() ({
      %run_scoped3A = tpu.sem_alloc : memref<!tpu.dma_semaphore, #tpu.memory_space<semaphore_mem>>
      %dma_start3A_502 = arith.constant 0 : i32
      %dma_start3A_503 = arith.constant 0 : i32
      %dma_start3A_504 = tpu.memref_slice %arg2[%dma_start3A_502, %dma_start3A_503] : memref<16x100000xf32, #tpu.memory_space<hbm>> -> memref<16x128xf32, #tpu.memory_space<hbm>>
      %dma_start3A_505 = arith.constant 0 : i32
      %dma_start3A_506 = arith.constant 0 : i32
      %dma_start3A_507 = tpu.memref_slice %arg2[%dma_start3A_505, %dma_start3A_506] : memref<16x100000xf32, #tpu.memory_space<hbm>> -> memref<16x128xf32, #tpu.memory_space<hbm>>
      tpu.enqueue_dma source(%dma_start3A_507 : memref<16x128xf32, #tpu.memory_space<hbm>>) target(%arg8 : memref<16x128xf32, #tpu.memory_space<vmem>>) target_semaphore(%run_scoped3A : memref<!tpu.dma_semaphore, #tpu.memory_space<semaphore_mem>>)
      %dma_wait3A = arith.constant 0 : i32
      %dma_wait3A_508 = arith.constant 0 : i32
      %dma_wait3A_509 = tpu.memref_slice %arg2[%dma_wait3A, %dma_wait3A_508] : memref<16x100000xf32, #tpu.memory_space<hbm>> -> memref<16x128xf32, #tpu.memory_space<hbm>>
      %dma_wait3A_510 = arith.constant 0 : i32
      %dma_wait3A_511 = arith.constant 0 : i32
      %dma_wait3A_512 = tpu.memref_slice %arg2[%dma_wait3A_510, %dma_wait3A_511] : memref<16x100000xf32, #tpu.memory_space<hbm>> -> memref<16x128xf32, #tpu.memory_space<hbm>>
      tpu.wait_dma2 semaphore(%run_scoped3A : memref<!tpu.dma_semaphore, #tpu.memory_space<semaphore_mem>>) src(%dma_wait3A_512 : memref<16x128xf32, #tpu.memory_space<hbm>>) dst(%arg8 : memref<16x128xf32, #tpu.memory_space<vmem>>)
      tpu.yield
    }) : () -> ()
    %iota3A = tpu.iota {dimensions = array<i32: 0>} : vector<16xi32>
    %broadcast_in_dim3A = arith.constant 1.000000e+00 : f32
    %broadcast_in_dim3A_26 = vector.broadcast %broadcast_in_dim3A : f32 to vector<16xf32>
    %broadcast_in_dim3A_27 = arith.constant 1 : i32
    %broadcast_in_dim3A_28 = vector.broadcast %broadcast_in_dim3A_27 : i32 to vector<16xi32>
    %broadcast_in_dim3A_29 = arith.constant 0 : i32
    %broadcast_in_dim3A_30 = vector.broadcast %broadcast_in_dim3A_29 : i32 to vector<16xi32>
    %broadcast_in_dim3A_31 = arith.constant 0.000000e+00 : f32
    %broadcast_in_dim3A_32 = vector.broadcast %broadcast_in_dim3A_31 : f32 to vector<16xf32>
    %get3A = arith.constant 0 : i32
    %get3A_33 = arith.index_cast %get3A : i32 to index
    %get3A_34 = arith.constant 0 : index
    %get3A_35 = tpu.vector_load %arg8[%get3A_33, %get3A_34] {strides = array<i32>} : memref<16x128xf32, #tpu.memory_space<vmem>>, vector<16xf32>,
    %add3A_36 = arith.addf %broadcast_in_dim3A_32, %get3A_35 : vector<16xf32>
    %mul3A_37 = arith.mulf %broadcast_in_dim3A_26, %get3A_35 : vector<16xf32>
    %get3A_38 = arith.constant 1 : i32
    %get3A_39 = arith.index_cast %get3A_38 : i32 to index
    %get3A_40 = arith.constant 0 : index
    %get3A_41 = tpu.vector_load %arg8[%get3A_39, %get3A_40] {strides = array<i32>} : memref<16x128xf32, #tpu.memory_space<vmem>>, vector<16xf32>,
    %add3A_42 = arith.addf %add3A_36, %get3A_41 : vector<16xf32>
    %mul3A_43 = arith.mulf %mul3A_37, %get3A_41 : vector<16xf32>
    %get3A_44 = arith.constant 2 : i32
    %get3A_45 = arith.index_cast %get3A_44 : i32 to index
    %get3A_46 = arith.constant 0 : index
    %get3A_47 = tpu.vector_load %arg8[%get3A_45, %get3A_46] {strides = array<i32>} : memref<16x128xf32, #tpu.memory_space<vmem>>, vector<16xf32>,
    %add3A_48 = arith.addf %add3A_42, %get3A_47 : vector<16xf32>
    %mul3A_49 = arith.mulf %mul3A_43, %get3A_47 : vector<16xf32>
    %get3A_50 = arith.constant 3 : i32
    %get3A_51 = arith.index_cast %get3A_50 : i32 to index
    %get3A_52 = arith.constant 0 : index
    %get3A_53 = tpu.vector_load %arg8[%get3A_51, %get3A_52] {strides = array<i32>} : memref<16x128xf32, #tpu.memory_space<vmem>>, vector<16xf32>,
    %add3A_54 = arith.addf %add3A_48, %get3A_53 : vector<16xf32>
    %mul3A_55 = arith.mulf %mul3A_49, %get3A_53 : vector<16xf32>
    %get3A_56 = arith.constant 4 : i32
    %get3A_57 = arith.index_cast %get3A_56 : i32 to index
    %get3A_58 = arith.constant 0 : index
    %get3A_59 = tpu.vector_load %arg8[%get3A_57, %get3A_58] {strides = array<i32>} : memref<16x128xf32, #tpu.memory_space<vmem>>, vector<16xf32>,
    %add3A_60 = arith.addf %add3A_54, %get3A_59 : vector<16xf32>
    %mul3A_61 = arith.mulf %mul3A_55, %get3A_59 : vector<16xf32>
    %get3A_62 = arith.constant 5 : i32
    %get3A_63 = arith.index_cast %get3A_62 : i32 to index
    %get3A_64 = arith.constant 0 : index
    %get3A_65 = tpu.vector_load %arg8[%get3A_63, %get3A_64] {strides = array<i32>} : memref<16x128xf32, #tpu.memory_space<vmem>>, vector<16xf32>,
    %add3A_66 = arith.addf %add3A_60, %get3A_65 : vector<16xf32>
    %mul3A_67 = arith.mulf %mul3A_61, %get3A_65 : vector<16xf32>
    %get3A_68 = arith.constant 6 : i32
    %get3A_69 = arith.index_cast %get3A_68 : i32 to index
    %get3A_70 = arith.constant 0 : index
    %get3A_71 = tpu.vector_load %arg8[%get3A_69, %get3A_70] {strides = array<i32>} : memref<16x128xf32, #tpu.memory_space<vmem>>, vector<16xf32>,
    %add3A_72 = arith.addf %add3A_66, %get3A_71 : vector<16xf32>
    %mul3A_73 = arith.mulf %mul3A_67, %get3A_71 : vector<16xf32>
    %get3A_74 = arith.constant 7 : i32
    %get3A_75 = arith.index_cast %get3A_74 : i32 to index
    %get3A_76 = arith.constant 0 : index
    %get3A_77 = tpu.vector_load %arg8[%get3A_75, %get3A_76] {strides = array<i32>} : memref<16x128xf32, #tpu.memory_space<vmem>>, vector<16xf32>,
    %add3A_78 = arith.addf %add3A_72, %get3A_77 : vector<16xf32>
    %mul3A_79 = arith.mulf %mul3A_73, %get3A_77 : vector<16xf32>
    %get3A_80 = arith.constant 8 : i32
    %get3A_81 = arith.index_cast %get3A_80 : i32 to index
    %get3A_82 = arith.constant 0 : index
    %get3A_83 = tpu.vector_load %arg8[%get3A_81, %get3A_82] {strides = array<i32>} : memref<16x128xf32, #tpu.memory_space<vmem>>, vector<16xf32>,
    %add3A_84 = arith.addf %add3A_78, %get3A_83 : vector<16xf32>
    %mul3A_85 = arith.mulf %mul3A_79, %get3A_83 : vector<16xf32>
    %get3A_86 = arith.constant 9 : i32
    %get3A_87 = arith.index_cast %get3A_86 : i32 to index
    %get3A_88 = arith.constant 0 : index
    %get3A_89 = tpu.vector_load %arg8[%get3A_87, %get3A_88] {strides = array<i32>} : memref<16x128xf32, #tpu.memory_space<vmem>>, vector<16xf32>,
    %add3A_90 = arith.addf %add3A_84, %get3A_89 : vector<16xf32>
    %mul3A_91 = arith.mulf %mul3A_85, %get3A_89 : vector<16xf32>
    %get3A_92 = arith.constant 10 : i32
    %get3A_93 = arith.index_cast %get3A_92 : i32 to index
    %get3A_94 = arith.constant 0 : index
    %get3A_95 = tpu.vector_load %arg8[%get3A_93, %get3A_94] {strides = array<i32>} : memref<16x128xf32, #tpu.memory_space<vmem>>, vector<16xf32>,
    %add3A_96 = arith.addf %add3A_90, %get3A_95 : vector<16xf32>
    %mul3A_97 = arith.mulf %mul3A_91, %get3A_95 : vector<16xf32>
    %get3A_98 = arith.constant 11 : i32
    %get3A_99 = arith.index_cast %get3A_98 : i32 to index
    %get3A_100 = arith.constant 0 : index
    %get3A_101 = tpu.vector_load %arg8[%get3A_99, %get3A_100] {strides = array<i32>} : memref<16x128xf32, #tpu.memory_space<vmem>>, vector<16xf32>,
    %add3A_102 = arith.addf %add3A_96, %get3A_101 : vector<16xf32>
    %mul3A_103 = arith.mulf %mul3A_97, %get3A_101 : vector<16xf32>
    %get3A_104 = arith.constant 12 : i32
    %get3A_105 = arith.index_cast %get3A_104 : i32 to index
    %get3A_106 = arith.constant 0 : index
    %get3A_107 = tpu.vector_load %arg8[%get3A_105, %get3A_106] {strides = array<i32>} : memref<16x128xf32, #tpu.memory_space<vmem>>, vector<16xf32>,
    %add3A_108 = arith.addf %add3A_102, %get3A_107 : vector<16xf32>
    %mul3A_109 = arith.mulf %mul3A_103, %get3A_107 : vector<16xf32>
    %get3A_110 = arith.constant 13 : i32
    %get3A_111 = arith.index_cast %get3A_110 : i32 to index
    %get3A_112 = arith.constant 0 : index
    %get3A_113 = tpu.vector_load %arg8[%get3A_111, %get3A_112] {strides = array<i32>} : memref<16x128xf32, #tpu.memory_space<vmem>>, vector<16xf32>,
    %add3A_114 = arith.addf %add3A_108, %get3A_113 : vector<16xf32>
    %mul3A_115 = arith.mulf %mul3A_109, %get3A_113 : vector<16xf32>
    %get3A_116 = arith.constant 14 : i32
    %get3A_117 = arith.index_cast %get3A_116 : i32 to index
    %get3A_118 = arith.constant 0 : index
    %get3A_119 = tpu.vector_load %arg8[%get3A_117, %get3A_118] {strides = array<i32>} : memref<16x128xf32, #tpu.memory_space<vmem>>, vector<16xf32>,
    %add3A_120 = arith.addf %add3A_114, %get3A_119 : vector<16xf32>
    %mul3A_121 = arith.mulf %mul3A_115, %get3A_119 : vector<16xf32>
    %get3A_122 = arith.constant 15 : i32
    %get3A_123 = arith.index_cast %get3A_122 : i32 to index
    %get3A_124 = arith.constant 0 : index
    %get3A_125 = tpu.vector_load %arg8[%get3A_123, %get3A_124] {strides = array<i32>} : memref<16x128xf32, #tpu.memory_space<vmem>>, vector<16xf32>,
    %add3A_126 = arith.addf %add3A_120, %get3A_125 : vector<16xf32>
    %mul3A_127 = arith.mulf %mul3A_121, %get3A_125 : vector<16xf32>
    %add3A_128 = arith.constant 1.000000e-10 : f32
    %add3A_129 = vector.broadcast %add3A_128 : f32 to vector<16xf32>
    %add3A_130 = arith.addf %add3A_126, %add3A_129 : vector<16xf32>
    %div3A = arith.constant 1.000000e+00 : f32
    %div3A_131 = vector.broadcast %div3A : f32 to vector<16xf32>
    %div3A_132 = arith.divf %div3A_131, %add3A_130 : vector<16xf32>
    %mul3A_133 = arith.mulf %div3A_132, %div3A_132 : vector<16xf32>
    %mul3A_134 = arith.mulf %mul3A_133, %mul3A_133 : vector<16xf32>
    %mul3A_135 = arith.mulf %mul3A_134, %mul3A_134 : vector<16xf32>
    %mul3A_136 = arith.mulf %mul3A_135, %mul3A_135 : vector<16xf32>
    %mul3A_137 = arith.mulf %mul3A_127, %mul3A_136 : vector<16xf32>
    %swap3A = arith.constant 0 : index
    %swap3A_138 = tpu.vector_load %arg9[%swap3A] {strides = array<i32>} : memref<32xf32, #tpu.memory_space<vmem>>, vector<16xf32>,
    tpu.vector_store %arg9[%swap3A], %mul3A_137 {strides = array<i32>} : memref<32xf32, #tpu.memory_space<vmem>>, vector<16xf32>,
    %swap3A_139 = arith.constant 16 : index
    %swap3A_140 = tpu.vector_load %arg9[%swap3A_139] {strides = array<i32>} : memref<32xf32, #tpu.memory_space<vmem>>, vector<16xf32>,
    tpu.vector_store %arg9[%swap3A_139], %broadcast_in_dim3A_26 {strides = array<i32>} : memref<32xf32, #tpu.memory_space<vmem>>, vector<16xf32>,
    %scan3A = arith.constant 0 : i32
    %scan3A_141 = arith.constant 2 : i32
    %scan3A_142 = arith.addi %scan3A, %scan3A_141 : i32
    %scan3A_143 = arith.constant 1 : i32
    %scan3A_144 = scf.for %scan3A_502 = %scan3A to %scan3A_142 step %scan3A_143 iter_args(%scan3A_503 = %broadcast_in_dim3A_26) -> (vector<16xf32>)  : i32 {
      %jit3A = arith.constant 2 : i32
      %eq3A_504 = arith.constant 0 : i32
      %eq3A_505 = arith.cmpi eq, %jit3A, %eq3A_504 : i32
      %jit3A_506 = arith.constant 1 : i32
      %select_n3A_507 = arith.select %eq3A_505, %jit3A_506, %jit3A : i32
      %rem3A = arith.remsi %scan3A_502, %select_n3A_507 : i32
      %ne3A = arith.constant 0 : i32
      %ne3A_508 = arith.cmpi ne, %rem3A, %ne3A : i32
      %lt3A_509 = arith.constant 0 : i32
      %lt3A_510 = arith.cmpi slt, %rem3A, %lt3A_509 : i32
      %lt3A_511 = arith.constant 0 : i32
      %lt3A_512 = arith.cmpi slt, %select_n3A_507, %lt3A_511 : i32
      %ne3A_513 = arith.xori %lt3A_510, %lt3A_512 : i1
      %and3A = arith.andi %ne3A_513, %ne3A_508 : i1
      %add3A_514 = arith.addi %rem3A, %select_n3A_507 : i32
      %select_n3A_515 = arith.select %and3A, %add3A_514, %rem3A : i32
      %eq3A_516 = arith.constant 0 : i32
      %eq3A_517 = arith.cmpi eq, %select_n3A_515, %eq3A_516 : i32
      %convert_element_type3A_518 = arith.extui %eq3A_517 : i1 to i32
      %cond3A_519 = arith.constant 0 : i32
      %cond3A_520 = arith.cmpi ne, %convert_element_type3A_518, %cond3A_519 : i32
      scf.if %cond3A_520 {
        %jit3A_620 = arith.constant 2 : i32
        %eq3A_621 = arith.constant 0 : i32
        %eq3A_622 = arith.cmpi eq, %jit3A_620, %eq3A_621 : i32
        %jit3A_623 = arith.constant 1 : i32
        %select_n3A_624 = arith.select %eq3A_622, %jit3A_623, %jit3A_620 : i32
        %rem3A_625 = arith.remsi %scan3A_502, %select_n3A_624 : i32
        %ne3A_626 = arith.constant 0 : i32
        %ne3A_627 = arith.cmpi ne, %rem3A_625, %ne3A_626 : i32
        %lt3A_628 = arith.constant 0 : i32
        %lt3A_629 = arith.cmpi slt, %rem3A_625, %lt3A_628 : i32
        %lt3A_630 = arith.constant 0 : i32
        %lt3A_631 = arith.cmpi slt, %select_n3A_624, %lt3A_630 : i32
        %ne3A_632 = arith.xori %lt3A_629, %lt3A_631 : i1
        %and3A_633 = arith.andi %ne3A_632, %ne3A_627 : i1
        %add3A_634 = arith.addi %rem3A_625, %select_n3A_624 : i32
        %select_n3A_635 = arith.select %and3A_633, %add3A_634, %rem3A_625 : i32
        %mul3A_636 = arith.constant 1664 : i32
        %mul3A_637 = arith.muli %select_n3A_635, %mul3A_636 : i32
        %multiple_of3A_638 = tpu.assume_multiple %mul3A_637, 128 : i32
        %dma_wait3A = arith.constant 0 : i32
        %dma_wait3A_639 = tpu.memref_slice %arg7[%dma_wait3A, %multiple_of3A_638] : memref<16x3328xf32, #tpu.memory_space<vmem>> -> memref<16x1664xf32, #tpu.memory_space<vmem>>
        %dma_wait3A_640 = arith.constant 0 : i32
        %dma_wait3A_641 = arith.constant 0 : i32
        %dma_wait3A_642 = tpu.memref_slice %arg2[%dma_wait3A_640, %dma_wait3A_641] : memref<16x100000xf32, #tpu.memory_space<hbm>> -> memref<16x1664xf32, #tpu.memory_space<hbm>>
        %dma_wait3A_643 = arith.constant 0 : i32
        %dma_wait3A_644 = tpu.memref_slice %arg7[%dma_wait3A_643, %multiple_of3A_638] : memref<16x3328xf32, #tpu.memory_space<vmem>> -> memref<16x1664xf32, #tpu.memory_space<vmem>>
        %dma_wait3A_645 = arith.constant 0 : i32
        %dma_wait3A_646 = arith.constant 0 : i32
        %dma_wait3A_647 = tpu.memref_slice %arg2[%dma_wait3A_645, %dma_wait3A_646] : memref<16x100000xf32, #tpu.memory_space<hbm>> -> memref<16x1664xf32, #tpu.memory_space<hbm>>
        tpu.wait_dma2 semaphore(%arg13 : memref<!tpu.dma_semaphore, #tpu.memory_space<semaphore_mem>>) src(%dma_wait3A_647 : memref<16x1664xf32, #tpu.memory_space<hbm>>) dst(%dma_wait3A_644 : memref<16x1664xf32, #tpu.memory_space<vmem>>)
      } else {
      }
      %jit3A_521 = arith.constant 2 : i32
      %eq3A_522 = arith.constant 0 : i32
      %eq3A_523 = arith.cmpi eq, %jit3A_521, %eq3A_522 : i32
      %jit3A_524 = arith.constant 1 : i32
      %select_n3A_525 = arith.select %eq3A_523, %jit3A_524, %jit3A_521 : i32
      %rem3A_526 = arith.remsi %scan3A_502, %select_n3A_525 : i32
      %ne3A_527 = arith.constant 0 : i32
      %ne3A_528 = arith.cmpi ne, %rem3A_526, %ne3A_527 : i32
      %lt3A_529 = arith.constant 0 : i32
      %lt3A_530 = arith.cmpi slt, %rem3A_526, %lt3A_529 : i32
      %lt3A_531 = arith.constant 0 : i32
      %lt3A_532 = arith.cmpi slt, %select_n3A_525, %lt3A_531 : i32
      %ne3A_533 = arith.xori %lt3A_530, %lt3A_532 : i1
      %and3A_534 = arith.andi %ne3A_533, %ne3A_528 : i1
      %add3A_535 = arith.addi %rem3A_526, %select_n3A_525 : i32
      %select_n3A_536 = arith.select %and3A_534, %add3A_535, %rem3A_526 : i32
      %eq3A_537 = arith.constant 1 : i32
      %eq3A_538 = arith.cmpi eq, %select_n3A_536, %eq3A_537 : i32
      %convert_element_type3A_539 = arith.extui %eq3A_538 : i1 to i32
      %cond3A_540 = arith.constant 0 : i32
      %cond3A_541 = arith.cmpi ne, %convert_element_type3A_539, %cond3A_540 : i32
      scf.if %cond3A_541 {
        %jit3A_620 = arith.constant 2 : i32
        %eq3A_621 = arith.constant 0 : i32
        %eq3A_622 = arith.cmpi eq, %jit3A_620, %eq3A_621 : i32
        %jit3A_623 = arith.constant 1 : i32
        %select_n3A_624 = arith.select %eq3A_622, %jit3A_623, %jit3A_620 : i32
        %rem3A_625 = arith.remsi %scan3A_502, %select_n3A_624 : i32
        %ne3A_626 = arith.constant 0 : i32
        %ne3A_627 = arith.cmpi ne, %rem3A_625, %ne3A_626 : i32
        %lt3A_628 = arith.constant 0 : i32
        %lt3A_629 = arith.cmpi slt, %rem3A_625, %lt3A_628 : i32
        %lt3A_630 = arith.constant 0 : i32
        %lt3A_631 = arith.cmpi slt, %select_n3A_624, %lt3A_630 : i32
        %ne3A_632 = arith.xori %lt3A_629, %lt3A_631 : i1
        %and3A_633 = arith.andi %ne3A_632, %ne3A_627 : i1
        %add3A_634 = arith.addi %rem3A_625, %select_n3A_624 : i32
        %select_n3A_635 = arith.select %and3A_633, %add3A_634, %rem3A_625 : i32
        %mul3A_636 = arith.constant 1664 : i32
        %mul3A_637 = arith.muli %select_n3A_635, %mul3A_636 : i32
        %multiple_of3A_638 = tpu.assume_multiple %mul3A_637, 128 : i32
        %dma_wait3A = arith.constant 0 : i32
        %dma_wait3A_639 = tpu.memref_slice %arg7[%dma_wait3A, %multiple_of3A_638] : memref<16x3328xf32, #tpu.memory_space<vmem>> -> memref<16x1664xf32, #tpu.memory_space<vmem>>
        %dma_wait3A_640 = arith.constant 0 : i32
        %dma_wait3A_641 = arith.constant 0 : i32
        %dma_wait3A_642 = tpu.memref_slice %arg2[%dma_wait3A_640, %dma_wait3A_641] : memref<16x100000xf32, #tpu.memory_space<hbm>> -> memref<16x1664xf32, #tpu.memory_space<hbm>>
        %dma_wait3A_643 = arith.constant 0 : i32
        %dma_wait3A_644 = tpu.memref_slice %arg7[%dma_wait3A_643, %multiple_of3A_638] : memref<16x3328xf32, #tpu.memory_space<vmem>> -> memref<16x1664xf32, #tpu.memory_space<vmem>>
        %dma_wait3A_645 = arith.constant 0 : i32
        %dma_wait3A_646 = arith.constant 0 : i32
        %dma_wait3A_647 = tpu.memref_slice %arg2[%dma_wait3A_645, %dma_wait3A_646] : memref<16x100000xf32, #tpu.memory_space<hbm>> -> memref<16x1664xf32, #tpu.memory_space<hbm>>
        tpu.wait_dma2 semaphore(%arg14 : memref<!tpu.dma_semaphore, #tpu.memory_space<semaphore_mem>>) src(%dma_wait3A_647 : memref<16x1664xf32, #tpu.memory_space<hbm>>) dst(%dma_wait3A_644 : memref<16x1664xf32, #tpu.memory_space<vmem>>)
      } else {
      }
      %mul3A_542 = arith.constant 1664 : i32
      %mul3A_543 = arith.muli %scan3A_502, %mul3A_542 : i32
      %add3A_544 = arith.addi %min3A_3, %mul3A_543 : i32
      %jit3A_545 = arith.constant 2 : i32
      %eq3A_546 = arith.constant 0 : i32
      %eq3A_547 = arith.cmpi eq, %jit3A_545, %eq3A_546 : i32
      %jit3A_548 = arith.constant 1 : i32
      %select_n3A_549 = arith.select %eq3A_547, %jit3A_548, %jit3A_545 : i32
      %rem3A_550 = arith.remsi %scan3A_502, %select_n3A_549 : i32
      %ne3A_551 = arith.constant 0 : i32
      %ne3A_552 = arith.cmpi ne, %rem3A_550, %ne3A_551 : i32
      %lt3A_553 = arith.constant 0 : i32
      %lt3A_554 = arith.cmpi slt, %rem3A_550, %lt3A_553 : i32
      %lt3A_555 = arith.constant 0 : i32
      %lt3A_556 = arith.cmpi slt, %select_n3A_549, %lt3A_555 : i32
      %ne3A_557 = arith.xori %lt3A_554, %lt3A_556 : i1
      %and3A_558 = arith.andi %ne3A_557, %ne3A_552 : i1
      %add3A_559 = arith.addi %rem3A_550, %select_n3A_549 : i32
      %select_n3A_560 = arith.select %and3A_558, %add3A_559, %rem3A_550 : i32
      %mul3A_561 = arith.constant 1664 : i32
      %mul3A_562 = arith.muli %select_n3A_560, %mul3A_561 : i32
      %multiple_of3A_563 = tpu.assume_multiple %mul3A_562, 128 : i32
      %scan3A_564 = arith.constant 0 : i32
      %scan3A_565 = arith.constant 52 : i32
      %scan3A_566 = arith.addi %scan3A_564, %scan3A_565 : i32
      %scan3A_567 = arith.constant 1 : i32
      %scan3A_568 = scf.for %scan3A_620 = %scan3A_564 to %scan3A_566 step %scan3A_567 iter_args(%scan3A_621 = %scan3A_503) -> (vector<16xf32>)  : i32 {
        %mul3A_622 = arith.constant 2 : i32
        %mul3A_623 = arith.muli %mul3A_622, %scan3A_620 : i32
        %mul3A_624 = arith.constant 16 : i32
        %mul3A_625 = arith.muli %mul3A_623, %mul3A_624 : i32
        %add3A_626 = arith.addi %multiple_of3A_563, %mul3A_625 : i32
        %add3A_627 = arith.addi %add3A_544, %add3A_626 : i32
        %add3A_628 = vector.broadcast %add3A_627 : i32 to vector<16xi32>
        %add3A_629 = arith.addi %add3A_628, %iota3A : vector<16xi32>
        %shift_right_logical3A_630 = arith.constant 16 : i32
        %shift_right_logical3A_631 = vector.broadcast %shift_right_logical3A_630 : i32 to vector<16xi32>
        %shift_right_logical3A_632 = arith.shrui %add3A_629, %shift_right_logical3A_631 : vector<16xi32>
        %xor3A_633 = arith.xori %add3A_629, %shift_right_logical3A_632 : vector<16xi32>
        %mul3A_634 = arith.constant -2048144789 : i32
        %mul3A_635 = vector.broadcast %mul3A_634 : i32 to vector<16xi32>
        %mul3A_636 = arith.muli %xor3A_633, %mul3A_635 : vector<16xi32>
        %shift_right_logical3A_637 = arith.constant 13 : i32
        %shift_right_logical3A_638 = vector.broadcast %shift_right_logical3A_637 : i32 to vector<16xi32>
        %shift_right_logical3A_639 = arith.shrui %mul3A_636, %shift_right_logical3A_638 : vector<16xi32>
        %xor3A_640 = arith.xori %mul3A_636, %shift_right_logical3A_639 : vector<16xi32>
        %mul3A_641 = arith.constant -1028477387 : i32
        %mul3A_642 = vector.broadcast %mul3A_641 : i32 to vector<16xi32>
        %mul3A_643 = arith.muli %xor3A_640, %mul3A_642 : vector<16xi32>
        %shift_right_logical3A_644 = arith.constant 16 : i32
        %shift_right_logical3A_645 = vector.broadcast %shift_right_logical3A_644 : i32 to vector<16xi32>
        %shift_right_logical3A_646 = arith.shrui %mul3A_643, %shift_right_logical3A_645 : vector<16xi32>
        %xor3A_647 = arith.xori %mul3A_643, %shift_right_logical3A_646 : vector<16xi32>
        %shift_right_logical3A_648 = arith.constant 9 : i32
        %shift_right_logical3A_649 = vector.broadcast %shift_right_logical3A_648 : i32 to vector<16xi32>
        %shift_right_logical3A_650 = arith.shrui %xor3A_647, %shift_right_logical3A_649 : vector<16xi32>
        %or3A_651 = arith.constant 1065353216 : i32
        %or3A_652 = vector.broadcast %or3A_651 : i32 to vector<16xi32>
        %or3A_653 = arith.ori %shift_right_logical3A_650, %or3A_652 : vector<16xi32>
        %bitcast3A_654 = vector.bitcast %or3A_653 : vector<16xi32> to vector<16xf32>
        %sub3A_655 = arith.constant 1.000000e+00 : f32
        %sub3A_656 = vector.broadcast %sub3A_655 : f32 to vector<16xf32>
        %sub3A_657 = arith.subf %bitcast3A_654, %sub3A_656 : vector<16xf32>
        %get3A_658 = arith.constant 0 : i32
        %get3A_659 = arith.index_cast %get3A_658 : i32 to index
        %get3A_660 = arith.index_cast %add3A_626 : i32 to index
        %get3A_661 = tpu.vector_load %arg7[%get3A_659, %get3A_660] {strides = array<i32>} : memref<16x3328xf32, #tpu.memory_space<vmem>>, vector<16xf32>,
        %get3A_662 = arith.constant 1 : i32
        %get3A_663 = arith.index_cast %get3A_662 : i32 to index
        %get3A_664 = arith.index_cast %add3A_626 : i32 to index
        %get3A_665 = tpu.vector_load %arg7[%get3A_663, %get3A_664] {strides = array<i32>} : memref<16x3328xf32, #tpu.memory_space<vmem>>, vector<16xf32>,
        %get3A_666 = arith.constant 2 : i32
        %get3A_667 = arith.index_cast %get3A_666 : i32 to index
        %get3A_668 = arith.index_cast %add3A_626 : i32 to index
        %get3A_669 = tpu.vector_load %arg7[%get3A_667, %get3A_668] {strides = array<i32>} : memref<16x3328xf32, #tpu.memory_space<vmem>>, vector<16xf32>,
        %get3A_670 = arith.constant 3 : i32
        %get3A_671 = arith.index_cast %get3A_670 : i32 to index
        %get3A_672 = arith.index_cast %add3A_626 : i32 to index
        %get3A_673 = tpu.vector_load %arg7[%get3A_671, %get3A_672] {strides = array<i32>} : memref<16x3328xf32, #tpu.memory_space<vmem>>, vector<16xf32>,
        %get3A_674 = arith.constant 4 : i32
        %get3A_675 = arith.index_cast %get3A_674 : i32 to index
        %get3A_676 = arith.index_cast %add3A_626 : i32 to index
        %get3A_677 = tpu.vector_load %arg7[%get3A_675, %get3A_676] {strides = array<i32>} : memref<16x3328xf32, #tpu.memory_space<vmem>>, vector<16xf32>,
        %get3A_678 = arith.constant 5 : i32
        %get3A_679 = arith.index_cast %get3A_678 : i32 to index
        %get3A_680 = arith.index_cast %add3A_626 : i32 to index
        %get3A_681 = tpu.vector_load %arg7[%get3A_679, %get3A_680] {strides = array<i32>} : memref<16x3328xf32, #tpu.memory_space<vmem>>, vector<16xf32>,
        %get3A_682 = arith.constant 6 : i32
        %get3A_683 = arith.index_cast %get3A_682 : i32 to index
        %get3A_684 = arith.index_cast %add3A_626 : i32 to index
        %get3A_685 = tpu.vector_load %arg7[%get3A_683, %get3A_684] {strides = array<i32>} : memref<16x3328xf32, #tpu.memory_space<vmem>>, vector<16xf32>,
        %get3A_686 = arith.constant 7 : i32
        %get3A_687 = arith.index_cast %get3A_686 : i32 to index
        %get3A_688 = arith.index_cast %add3A_626 : i32 to index
        %get3A_689 = tpu.vector_load %arg7[%get3A_687, %get3A_688] {strides = array<i32>} : memref<16x3328xf32, #tpu.memory_space<vmem>>, vector<16xf32>,
        %get3A_690 = arith.constant 8 : i32
        %get3A_691 = arith.index_cast %get3A_690 : i32 to index
        %get3A_692 = arith.index_cast %add3A_626 : i32 to index
        %get3A_693 = tpu.vector_load %arg7[%get3A_691, %get3A_692] {strides = array<i32>} : memref<16x3328xf32, #tpu.memory_space<vmem>>, vector<16xf32>,
        %get3A_694 = arith.constant 9 : i32
        %get3A_695 = arith.index_cast %get3A_694 : i32 to index
        %get3A_696 = arith.index_cast %add3A_626 : i32 to index
        %get3A_697 = tpu.vector_load %arg7[%get3A_695, %get3A_696] {strides = array<i32>} : memref<16x3328xf32, #tpu.memory_space<vmem>>, vector<16xf32>,
        %get3A_698 = arith.constant 10 : i32
        %get3A_699 = arith.index_cast %get3A_698 : i32 to index
        %get3A_700 = arith.index_cast %add3A_626 : i32 to index
        %get3A_701 = tpu.vector_load %arg7[%get3A_699, %get3A_700] {strides = array<i32>} : memref<16x3328xf32, #tpu.memory_space<vmem>>, vector<16xf32>,
        %get3A_702 = arith.constant 11 : i32
        %get3A_703 = arith.index_cast %get3A_702 : i32 to index
        %get3A_704 = arith.index_cast %add3A_626 : i32 to index
        %get3A_705 = tpu.vector_load %arg7[%get3A_703, %get3A_704] {strides = array<i32>} : memref<16x3328xf32, #tpu.memory_space<vmem>>, vector<16xf32>,
        %get3A_706 = arith.constant 12 : i32
        %get3A_707 = arith.index_cast %get3A_706 : i32 to index
        %get3A_708 = arith.index_cast %add3A_626 : i32 to index
        %get3A_709 = tpu.vector_load %arg7[%get3A_707, %get3A_708] {strides = array<i32>} : memref<16x3328xf32, #tpu.memory_space<vmem>>, vector<16xf32>,
        %get3A_710 = arith.constant 13 : i32
        %get3A_711 = arith.index_cast %get3A_710 : i32 to index
        %get3A_712 = arith.index_cast %add3A_626 : i32 to index
        %get3A_713 = tpu.vector_load %arg7[%get3A_711, %get3A_712] {strides = array<i32>} : memref<16x3328xf32, #tpu.memory_space<vmem>>, vector<16xf32>,
        %get3A_714 = arith.constant 14 : i32
        %get3A_715 = arith.index_cast %get3A_714 : i32 to index
        %get3A_716 = arith.index_cast %add3A_626 : i32 to index
        %get3A_717 = tpu.vector_load %arg7[%get3A_715, %get3A_716] {strides = array<i32>} : memref<16x3328xf32, #tpu.memory_space<vmem>>, vector<16xf32>,
        %get3A_718 = arith.constant 15 : i32
        %get3A_719 = arith.index_cast %get3A_718 : i32 to index
        %get3A_720 = arith.index_cast %add3A_626 : i32 to index
        %get3A_721 = tpu.vector_load %arg7[%get3A_719, %get3A_720] {strides = array<i32>} : memref<16x3328xf32, #tpu.memory_space<vmem>>, vector<16xf32>,
        %add3A_722 = arith.addf %get3A_661, %get3A_665 : vector<16xf32>
        %add3A_723 = arith.addf %add3A_722, %get3A_669 : vector<16xf32>
        %add3A_724 = arith.addf %add3A_723, %get3A_673 : vector<16xf32>
        %add3A_725 = arith.addf %add3A_724, %get3A_677 : vector<16xf32>
        %add3A_726 = arith.addf %add3A_725, %get3A_681 : vector<16xf32>
        %add3A_727 = arith.addf %add3A_726, %get3A_685 : vector<16xf32>
        %add3A_728 = arith.addf %add3A_727, %get3A_689 : vector<16xf32>
        %add3A_729 = arith.addf %add3A_728, %get3A_693 : vector<16xf32>
        %add3A_730 = arith.addf %add3A_729, %get3A_697 : vector<16xf32>
        %add3A_731 = arith.addf %add3A_730, %get3A_701 : vector<16xf32>
        %add3A_732 = arith.addf %add3A_731, %get3A_705 : vector<16xf32>
        %add3A_733 = arith.addf %add3A_732, %get3A_709 : vector<16xf32>
        %add3A_734 = arith.addf %add3A_733, %get3A_713 : vector<16xf32>
        %add3A_735 = arith.addf %add3A_734, %get3A_717 : vector<16xf32>
        %add3A_736 = arith.addf %add3A_735, %get3A_721 : vector<16xf32>
        %mul3A_737 = arith.mulf %sub3A_657, %add3A_736 : vector<16xf32>
        %lt3A_738 = arith.cmpf olt, %get3A_661, %mul3A_737 : vector<16xf32>
        %select_n3A_739 = arith.select %lt3A_738, %broadcast_in_dim3A_28, %broadcast_in_dim3A_30 : vector<16xi1>, vector<16xi32>
        %lt3A_740 = arith.cmpf olt, %add3A_722, %mul3A_737 : vector<16xf32>
        %select_n3A_741 = arith.select %lt3A_740, %broadcast_in_dim3A_28, %broadcast_in_dim3A_30 : vector<16xi1>, vector<16xi32>
        %lt3A_742 = arith.cmpf olt, %add3A_723, %mul3A_737 : vector<16xf32>
        %select_n3A_743 = arith.select %lt3A_742, %broadcast_in_dim3A_28, %broadcast_in_dim3A_30 : vector<16xi1>, vector<16xi32>
        %lt3A_744 = arith.cmpf olt, %add3A_724, %mul3A_737 : vector<16xf32>
        %select_n3A_745 = arith.select %lt3A_744, %broadcast_in_dim3A_28, %broadcast_in_dim3A_30 : vector<16xi1>, vector<16xi32>
        %lt3A_746 = arith.cmpf olt, %add3A_725, %mul3A_737 : vector<16xf32>
        %select_n3A_747 = arith.select %lt3A_746, %broadcast_in_dim3A_28, %broadcast_in_dim3A_30 : vector<16xi1>, vector<16xi32>
        %lt3A_748 = arith.cmpf olt, %add3A_726, %mul3A_737 : vector<16xf32>
        %select_n3A_749 = arith.select %lt3A_748, %broadcast_in_dim3A_28, %broadcast_in_dim3A_30 : vector<16xi1>, vector<16xi32>
        %lt3A_750 = arith.cmpf olt, %add3A_727, %mul3A_737 : vector<16xf32>
        %select_n3A_751 = arith.select %lt3A_750, %broadcast_in_dim3A_28, %broadcast_in_dim3A_30 : vector<16xi1>, vector<16xi32>
        %lt3A_752 = arith.cmpf olt, %add3A_728, %mul3A_737 : vector<16xf32>
        %select_n3A_753 = arith.select %lt3A_752, %broadcast_in_dim3A_28, %broadcast_in_dim3A_30 : vector<16xi1>, vector<16xi32>
        %lt3A_754 = arith.cmpf olt, %add3A_729, %mul3A_737 : vector<16xf32>
        %select_n3A_755 = arith.select %lt3A_754, %broadcast_in_dim3A_28, %broadcast_in_dim3A_30 : vector<16xi1>, vector<16xi32>
        %lt3A_756 = arith.cmpf olt, %add3A_730, %mul3A_737 : vector<16xf32>
        %select_n3A_757 = arith.select %lt3A_756, %broadcast_in_dim3A_28, %broadcast_in_dim3A_30 : vector<16xi1>, vector<16xi32>
        %lt3A_758 = arith.cmpf olt, %add3A_731, %mul3A_737 : vector<16xf32>
        %select_n3A_759 = arith.select %lt3A_758, %broadcast_in_dim3A_28, %broadcast_in_dim3A_30 : vector<16xi1>, vector<16xi32>
        %lt3A_760 = arith.cmpf olt, %add3A_732, %mul3A_737 : vector<16xf32>
        %select_n3A_761 = arith.select %lt3A_760, %broadcast_in_dim3A_28, %broadcast_in_dim3A_30 : vector<16xi1>, vector<16xi32>
        %lt3A_762 = arith.cmpf olt, %add3A_733, %mul3A_737 : vector<16xf32>
        %select_n3A_763 = arith.select %lt3A_762, %broadcast_in_dim3A_28, %broadcast_in_dim3A_30 : vector<16xi1>, vector<16xi32>
        %lt3A_764 = arith.cmpf olt, %add3A_734, %mul3A_737 : vector<16xf32>
        %select_n3A_765 = arith.select %lt3A_764, %broadcast_in_dim3A_28, %broadcast_in_dim3A_30 : vector<16xi1>, vector<16xi32>
        %lt3A_766 = arith.cmpf olt, %add3A_735, %mul3A_737 : vector<16xf32>
        %select_n3A_767 = arith.select %lt3A_766, %broadcast_in_dim3A_28, %broadcast_in_dim3A_30 : vector<16xi1>, vector<16xi32>
        %lt3A_768 = arith.cmpf olt, %add3A_736, %mul3A_737 : vector<16xf32>
        %select_n3A_769 = arith.select %lt3A_768, %broadcast_in_dim3A_28, %broadcast_in_dim3A_30 : vector<16xi1>, vector<16xi32>
        %add3A_770 = arith.addi %select_n3A_739, %select_n3A_741 : vector<16xi32>
        %add3A_771 = arith.addi %select_n3A_743, %select_n3A_745 : vector<16xi32>
        %add3A_772 = arith.addi %select_n3A_747, %select_n3A_749 : vector<16xi32>
        %add3A_773 = arith.addi %select_n3A_751, %select_n3A_753 : vector<16xi32>
        %add3A_774 = arith.addi %select_n3A_755, %select_n3A_757 : vector<16xi32>
        %add3A_775 = arith.addi %select_n3A_759, %select_n3A_761 : vector<16xi32>
        %add3A_776 = arith.addi %select_n3A_763, %select_n3A_765 : vector<16xi32>
        %add3A_777 = arith.addi %select_n3A_767, %select_n3A_769 : vector<16xi32>
        %add3A_778 = arith.addi %add3A_770, %add3A_771 : vector<16xi32>
        %add3A_779 = arith.addi %add3A_772, %add3A_773 : vector<16xi32>
        %add3A_780 = arith.addi %add3A_774, %add3A_775 : vector<16xi32>
        %add3A_781 = arith.addi %add3A_776, %add3A_777 : vector<16xi32>
        %add3A_782 = arith.addi %add3A_778, %add3A_779 : vector<16xi32>
        %add3A_783 = arith.addi %add3A_780, %add3A_781 : vector<16xi32>
        %add3A_784 = arith.addi %add3A_782, %add3A_783 : vector<16xi32>
        %gather3A_785 = tpu.vector_load_idx %arg9[%add3A_784] : memref<32xf32, #tpu.memory_space<vmem>>[vector<16xi32>], vector<16xf32>,
        %mul3A_786 = arith.constant 2 : i32
        %mul3A_787 = arith.muli %mul3A_786, %scan3A_620 : i32
        %add3A_788 = arith.constant 1 : i32
        %add3A_789 = arith.addi %mul3A_787, %add3A_788 : i32
        %mul3A_790 = arith.constant 16 : i32
        %mul3A_791 = arith.muli %add3A_789, %mul3A_790 : i32
        %add3A_792 = arith.addi %multiple_of3A_563, %mul3A_791 : i32
        %add3A_793 = arith.addi %add3A_544, %add3A_792 : i32
        %add3A_794 = vector.broadcast %add3A_793 : i32 to vector<16xi32>
        %add3A_795 = arith.addi %add3A_794, %iota3A : vector<16xi32>
        %shift_right_logical3A_796 = arith.constant 16 : i32
        %shift_right_logical3A_797 = vector.broadcast %shift_right_logical3A_796 : i32 to vector<16xi32>
        %shift_right_logical3A_798 = arith.shrui %add3A_795, %shift_right_logical3A_797 : vector<16xi32>
        %xor3A_799 = arith.xori %add3A_795, %shift_right_logical3A_798 : vector<16xi32>
        %mul3A_800 = arith.constant -2048144789 : i32
        %mul3A_801 = vector.broadcast %mul3A_800 : i32 to vector<16xi32>
        %mul3A_802 = arith.muli %xor3A_799, %mul3A_801 : vector<16xi32>
        %shift_right_logical3A_803 = arith.constant 13 : i32
        %shift_right_logical3A_804 = vector.broadcast %shift_right_logical3A_803 : i32 to vector<16xi32>
        %shift_right_logical3A_805 = arith.shrui %mul3A_802, %shift_right_logical3A_804 : vector<16xi32>
        %xor3A_806 = arith.xori %mul3A_802, %shift_right_logical3A_805 : vector<16xi32>
        %mul3A_807 = arith.constant -1028477387 : i32
        %mul3A_808 = vector.broadcast %mul3A_807 : i32 to vector<16xi32>
        %mul3A_809 = arith.muli %xor3A_806, %mul3A_808 : vector<16xi32>
        %shift_right_logical3A_810 = arith.constant 16 : i32
        %shift_right_logical3A_811 = vector.broadcast %shift_right_logical3A_810 : i32 to vector<16xi32>
        %shift_right_logical3A_812 = arith.shrui %mul3A_809, %shift_right_logical3A_811 : vector<16xi32>
        %xor3A_813 = arith.xori %mul3A_809, %shift_right_logical3A_812 : vector<16xi32>
        %shift_right_logical3A_814 = arith.constant 9 : i32
        %shift_right_logical3A_815 = vector.broadcast %shift_right_logical3A_814 : i32 to vector<16xi32>
        %shift_right_logical3A_816 = arith.shrui %xor3A_813, %shift_right_logical3A_815 : vector<16xi32>
        %or3A_817 = arith.constant 1065353216 : i32
        %or3A_818 = vector.broadcast %or3A_817 : i32 to vector<16xi32>
        %or3A_819 = arith.ori %shift_right_logical3A_816, %or3A_818 : vector<16xi32>
        %bitcast3A_820 = vector.bitcast %or3A_819 : vector<16xi32> to vector<16xf32>
        %sub3A_821 = arith.constant 1.000000e+00 : f32
        %sub3A_822 = vector.broadcast %sub3A_821 : f32 to vector<16xf32>
        %sub3A_823 = arith.subf %bitcast3A_820, %sub3A_822 : vector<16xf32>
        %get3A_824 = arith.constant 0 : i32
        %get3A_825 = arith.index_cast %get3A_824 : i32 to index
        %get3A_826 = arith.index_cast %add3A_792 : i32 to index
        %get3A_827 = tpu.vector_load %arg7[%get3A_825, %get3A_826] {strides = array<i32>} : memref<16x3328xf32, #tpu.memory_space<vmem>>, vector<16xf32>,
        %get3A_828 = arith.constant 1 : i32
        %get3A_829 = arith.index_cast %get3A_828 : i32 to index
        %get3A_830 = arith.index_cast %add3A_792 : i32 to index
        %get3A_831 = tpu.vector_load %arg7[%get3A_829, %get3A_830] {strides = array<i32>} : memref<16x3328xf32, #tpu.memory_space<vmem>>, vector<16xf32>,
        %get3A_832 = arith.constant 2 : i32
        %get3A_833 = arith.index_cast %get3A_832 : i32 to index
        %get3A_834 = arith.index_cast %add3A_792 : i32 to index
        %get3A_835 = tpu.vector_load %arg7[%get3A_833, %get3A_834] {strides = array<i32>} : memref<16x3328xf32, #tpu.memory_space<vmem>>, vector<16xf32>,
        %get3A_836 = arith.constant 3 : i32
        %get3A_837 = arith.index_cast %get3A_836 : i32 to index
        %get3A_838 = arith.index_cast %add3A_792 : i32 to index
        %get3A_839 = tpu.vector_load %arg7[%get3A_837, %get3A_838] {strides = array<i32>} : memref<16x3328xf32, #tpu.memory_space<vmem>>, vector<16xf32>,
        %get3A_840 = arith.constant 4 : i32
        %get3A_841 = arith.index_cast %get3A_840 : i32 to index
        %get3A_842 = arith.index_cast %add3A_792 : i32 to index
        %get3A_843 = tpu.vector_load %arg7[%get3A_841, %get3A_842] {strides = array<i32>} : memref<16x3328xf32, #tpu.memory_space<vmem>>, vector<16xf32>,
        %get3A_844 = arith.constant 5 : i32
        %get3A_845 = arith.index_cast %get3A_844 : i32 to index
        %get3A_846 = arith.index_cast %add3A_792 : i32 to index
        %get3A_847 = tpu.vector_load %arg7[%get3A_845, %get3A_846] {strides = array<i32>} : memref<16x3328xf32, #tpu.memory_space<vmem>>, vector<16xf32>,
        %get3A_848 = arith.constant 6 : i32
        %get3A_849 = arith.index_cast %get3A_848 : i32 to index
        %get3A_850 = arith.index_cast %add3A_792 : i32 to index
        %get3A_851 = tpu.vector_load %arg7[%get3A_849, %get3A_850] {strides = array<i32>} : memref<16x3328xf32, #tpu.memory_space<vmem>>, vector<16xf32>,
        %get3A_852 = arith.constant 7 : i32
        %get3A_853 = arith.index_cast %get3A_852 : i32 to index
        %get3A_854 = arith.index_cast %add3A_792 : i32 to index
        %get3A_855 = tpu.vector_load %arg7[%get3A_853, %get3A_854] {strides = array<i32>} : memref<16x3328xf32, #tpu.memory_space<vmem>>, vector<16xf32>,
        %get3A_856 = arith.constant 8 : i32
        %get3A_857 = arith.index_cast %get3A_856 : i32 to index
        %get3A_858 = arith.index_cast %add3A_792 : i32 to index
        %get3A_859 = tpu.vector_load %arg7[%get3A_857, %get3A_858] {strides = array<i32>} : memref<16x3328xf32, #tpu.memory_space<vmem>>, vector<16xf32>,
        %get3A_860 = arith.constant 9 : i32
        %get3A_861 = arith.index_cast %get3A_860 : i32 to index
        %get3A_862 = arith.index_cast %add3A_792 : i32 to index
        %get3A_863 = tpu.vector_load %arg7[%get3A_861, %get3A_862] {strides = array<i32>} : memref<16x3328xf32, #tpu.memory_space<vmem>>, vector<16xf32>,
        %get3A_864 = arith.constant 10 : i32
        %get3A_865 = arith.index_cast %get3A_864 : i32 to index
        %get3A_866 = arith.index_cast %add3A_792 : i32 to index
        %get3A_867 = tpu.vector_load %arg7[%get3A_865, %get3A_866] {strides = array<i32>} : memref<16x3328xf32, #tpu.memory_space<vmem>>, vector<16xf32>,
        %get3A_868 = arith.constant 11 : i32
        %get3A_869 = arith.index_cast %get3A_868 : i32 to index
        %get3A_870 = arith.index_cast %add3A_792 : i32 to index
        %get3A_871 = tpu.vector_load %arg7[%get3A_869, %get3A_870] {strides = array<i32>} : memref<16x3328xf32, #tpu.memory_space<vmem>>, vector<16xf32>,
        %get3A_872 = arith.constant 12 : i32
        %get3A_873 = arith.index_cast %get3A_872 : i32 to index
        %get3A_874 = arith.index_cast %add3A_792 : i32 to index
        %get3A_875 = tpu.vector_load %arg7[%get3A_873, %get3A_874] {strides = array<i32>} : memref<16x3328xf32, #tpu.memory_space<vmem>>, vector<16xf32>,
        %get3A_876 = arith.constant 13 : i32
        %get3A_877 = arith.index_cast %get3A_876 : i32 to index
        %get3A_878 = arith.index_cast %add3A_792 : i32 to index
        %get3A_879 = tpu.vector_load %arg7[%get3A_877, %get3A_878] {strides = array<i32>} : memref<16x3328xf32, #tpu.memory_space<vmem>>, vector<16xf32>,
        %get3A_880 = arith.constant 14 : i32
        %get3A_881 = arith.index_cast %get3A_880 : i32 to index
        %get3A_882 = arith.index_cast %add3A_792 : i32 to index
        %get3A_883 = tpu.vector_load %arg7[%get3A_881, %get3A_882] {strides = array<i32>} : memref<16x3328xf32, #tpu.memory_space<vmem>>, vector<16xf32>,
        %get3A_884 = arith.constant 15 : i32
        %get3A_885 = arith.index_cast %get3A_884 : i32 to index
        %get3A_886 = arith.index_cast %add3A_792 : i32 to index
        %get3A_887 = tpu.vector_load %arg7[%get3A_885, %get3A_886] {strides = array<i32>} : memref<16x3328xf32, #tpu.memory_space<vmem>>, vector<16xf32>,
        %add3A_888 = arith.addf %get3A_827, %get3A_831 : vector<16xf32>
        %add3A_889 = arith.addf %add3A_888, %get3A_835 : vector<16xf32>
        %add3A_890 = arith.addf %add3A_889, %get3A_839 : vector<16xf32>
        %add3A_891 = arith.addf %add3A_890, %get3A_843 : vector<16xf32>
        %add3A_892 = arith.addf %add3A_891, %get3A_847 : vector<16xf32>
        %add3A_893 = arith.addf %add3A_892, %get3A_851 : vector<16xf32>
        %add3A_894 = arith.addf %add3A_893, %get3A_855 : vector<16xf32>
        %add3A_895 = arith.addf %add3A_894, %get3A_859 : vector<16xf32>
        %add3A_896 = arith.addf %add3A_895, %get3A_863 : vector<16xf32>
        %add3A_897 = arith.addf %add3A_896, %get3A_867 : vector<16xf32>
        %add3A_898 = arith.addf %add3A_897, %get3A_871 : vector<16xf32>
        %add3A_899 = arith.addf %add3A_898, %get3A_875 : vector<16xf32>
        %add3A_900 = arith.addf %add3A_899, %get3A_879 : vector<16xf32>
        %add3A_901 = arith.addf %add3A_900, %get3A_883 : vector<16xf32>
        %add3A_902 = arith.addf %add3A_901, %get3A_887 : vector<16xf32>
        %mul3A_903 = arith.mulf %sub3A_823, %add3A_902 : vector<16xf32>
        %lt3A_904 = arith.cmpf olt, %get3A_827, %mul3A_903 : vector<16xf32>
        %select_n3A_905 = arith.select %lt3A_904, %broadcast_in_dim3A_28, %broadcast_in_dim3A_30 : vector<16xi1>, vector<16xi32>
        %lt3A_906 = arith.cmpf olt, %add3A_888, %mul3A_903 : vector<16xf32>
        %select_n3A_907 = arith.select %lt3A_906, %broadcast_in_dim3A_28, %broadcast_in_dim3A_30 : vector<16xi1>, vector<16xi32>
        %lt3A_908 = arith.cmpf olt, %add3A_889, %mul3A_903 : vector<16xf32>
        %select_n3A_909 = arith.select %lt3A_908, %broadcast_in_dim3A_28, %broadcast_in_dim3A_30 : vector<16xi1>, vector<16xi32>
        %lt3A_910 = arith.cmpf olt, %add3A_890, %mul3A_903 : vector<16xf32>
        %select_n3A_911 = arith.select %lt3A_910, %broadcast_in_dim3A_28, %broadcast_in_dim3A_30 : vector<16xi1>, vector<16xi32>
        %lt3A_912 = arith.cmpf olt, %add3A_891, %mul3A_903 : vector<16xf32>
        %select_n3A_913 = arith.select %lt3A_912, %broadcast_in_dim3A_28, %broadcast_in_dim3A_30 : vector<16xi1>, vector<16xi32>
        %lt3A_914 = arith.cmpf olt, %add3A_892, %mul3A_903 : vector<16xf32>
        %select_n3A_915 = arith.select %lt3A_914, %broadcast_in_dim3A_28, %broadcast_in_dim3A_30 : vector<16xi1>, vector<16xi32>
        %lt3A_916 = arith.cmpf olt, %add3A_893, %mul3A_903 : vector<16xf32>
        %select_n3A_917 = arith.select %lt3A_916, %broadcast_in_dim3A_28, %broadcast_in_dim3A_30 : vector<16xi1>, vector<16xi32>
        %lt3A_918 = arith.cmpf olt, %add3A_894, %mul3A_903 : vector<16xf32>
        %select_n3A_919 = arith.select %lt3A_918, %broadcast_in_dim3A_28, %broadcast_in_dim3A_30 : vector<16xi1>, vector<16xi32>
        %lt3A_920 = arith.cmpf olt, %add3A_895, %mul3A_903 : vector<16xf32>
        %select_n3A_921 = arith.select %lt3A_920, %broadcast_in_dim3A_28, %broadcast_in_dim3A_30 : vector<16xi1>, vector<16xi32>
        %lt3A_922 = arith.cmpf olt, %add3A_896, %mul3A_903 : vector<16xf32>
        %select_n3A_923 = arith.select %lt3A_922, %broadcast_in_dim3A_28, %broadcast_in_dim3A_30 : vector<16xi1>, vector<16xi32>
        %lt3A_924 = arith.cmpf olt, %add3A_897, %mul3A_903 : vector<16xf32>
        %select_n3A_925 = arith.select %lt3A_924, %broadcast_in_dim3A_28, %broadcast_in_dim3A_30 : vector<16xi1>, vector<16xi32>
        %lt3A_926 = arith.cmpf olt, %add3A_898, %mul3A_903 : vector<16xf32>
        %select_n3A_927 = arith.select %lt3A_926, %broadcast_in_dim3A_28, %broadcast_in_dim3A_30 : vector<16xi1>, vector<16xi32>
        %lt3A_928 = arith.cmpf olt, %add3A_899, %mul3A_903 : vector<16xf32>
        %select_n3A_929 = arith.select %lt3A_928, %broadcast_in_dim3A_28, %broadcast_in_dim3A_30 : vector<16xi1>, vector<16xi32>
        %lt3A_930 = arith.cmpf olt, %add3A_900, %mul3A_903 : vector<16xf32>
        %select_n3A_931 = arith.select %lt3A_930, %broadcast_in_dim3A_28, %broadcast_in_dim3A_30 : vector<16xi1>, vector<16xi32>
        %lt3A_932 = arith.cmpf olt, %add3A_901, %mul3A_903 : vector<16xf32>
        %select_n3A_933 = arith.select %lt3A_932, %broadcast_in_dim3A_28, %broadcast_in_dim3A_30 : vector<16xi1>, vector<16xi32>
        %lt3A_934 = arith.cmpf olt, %add3A_902, %mul3A_903 : vector<16xf32>
        %select_n3A_935 = arith.select %lt3A_934, %broadcast_in_dim3A_28, %broadcast_in_dim3A_30 : vector<16xi1>, vector<16xi32>
        %add3A_936 = arith.addi %select_n3A_905, %select_n3A_907 : vector<16xi32>
        %add3A_937 = arith.addi %select_n3A_909, %select_n3A_911 : vector<16xi32>
        %add3A_938 = arith.addi %select_n3A_913, %select_n3A_915 : vector<16xi32>
        %add3A_939 = arith.addi %select_n3A_917, %select_n3A_919 : vector<16xi32>
        %add3A_940 = arith.addi %select_n3A_921, %select_n3A_923 : vector<16xi32>
        %add3A_941 = arith.addi %select_n3A_925, %select_n3A_927 : vector<16xi32>
        %add3A_942 = arith.addi %select_n3A_929, %select_n3A_931 : vector<16xi32>
        %add3A_943 = arith.addi %select_n3A_933, %select_n3A_935 : vector<16xi32>
        %add3A_944 = arith.addi %add3A_936, %add3A_937 : vector<16xi32>
        %add3A_945 = arith.addi %add3A_938, %add3A_939 : vector<16xi32>
        %add3A_946 = arith.addi %add3A_940, %add3A_941 : vector<16xi32>
        %add3A_947 = arith.addi %add3A_942, %add3A_943 : vector<16xi32>
        %add3A_948 = arith.addi %add3A_944, %add3A_945 : vector<16xi32>
        %add3A_949 = arith.addi %add3A_946, %add3A_947 : vector<16xi32>
        %add3A_950 = arith.addi %add3A_948, %add3A_949 : vector<16xi32>
        %gather3A_951 = tpu.vector_load_idx %arg9[%add3A_950] : memref<32xf32, #tpu.memory_space<vmem>>[vector<16xi32>], vector<16xf32>,
        %mul3A_952 = arith.mulf %gather3A_785, %gather3A_951 : vector<16xf32>
        %mul3A_953 = arith.mulf %scan3A_621, %mul3A_952 : vector<16xf32>
        scf.yield %mul3A_953 : vector<16xf32>
      }
      %scan3A_569 = arith.constant 52 : i32
      %add3A_570 = arith.constant 2 : i32
      %add3A_571 = arith.addi %scan3A_502, %add3A_570 : i32
      %lt3A_572 = arith.constant 2 : i32
      %lt3A_573 = arith.cmpi slt, %add3A_571, %lt3A_572 : i32
      %jit3A_574 = arith.constant 2 : i32
      %eq3A_575 = arith.constant 0 : i32
      %eq3A_576 = arith.cmpi eq, %jit3A_574, %eq3A_575 : i32
      %jit3A_577 = arith.constant 1 : i32
      %select_n3A_578 = arith.select %eq3A_576, %jit3A_577, %jit3A_574 : i32
      %rem3A_579 = arith.remsi %scan3A_502, %select_n3A_578 : i32
      %ne3A_580 = arith.constant 0 : i32
      %ne3A_581 = arith.cmpi ne, %rem3A_579, %ne3A_580 : i32
      %lt3A_582 = arith.constant 0 : i32
      %lt3A_583 = arith.cmpi slt, %rem3A_579, %lt3A_582 : i32
      %lt3A_584 = arith.constant 0 : i32
      %lt3A_585 = arith.cmpi slt, %select_n3A_578, %lt3A_584 : i32
      %ne3A_586 = arith.xori %lt3A_583, %lt3A_585 : i1
      %and3A_587 = arith.andi %ne3A_586, %ne3A_581 : i1
      %add3A_588 = arith.addi %rem3A_579, %select_n3A_578 : i32
      %select_n3A_589 = arith.select %and3A_587, %add3A_588, %rem3A_579 : i32
      %eq3A_590 = arith.constant 0 : i32
      %eq3A_591 = arith.cmpi eq, %select_n3A_589, %eq3A_590 : i32
      %and3A_592 = arith.andi %lt3A_573, %eq3A_591 : i1
      %convert_element_type3A_593 = arith.extui %and3A_592 : i1 to i32
      %cond3A_594 = arith.constant 0 : i32
      %cond3A_595 = arith.cmpi ne, %convert_element_type3A_593, %cond3A_594 : i32
      scf.if %cond3A_595 {
        %mul3A_620 = arith.constant 1664 : i32
        %mul3A_621 = arith.muli %add3A_571, %mul3A_620 : i32
        %add3A_622 = arith.addi %min3A_3, %mul3A_621 : i32
        %jit3A_623 = arith.constant 2 : i32
        %eq3A_624 = arith.constant 0 : i32
        %eq3A_625 = arith.cmpi eq, %jit3A_623, %eq3A_624 : i32
        %jit3A_626 = arith.constant 1 : i32
        %select_n3A_627 = arith.select %eq3A_625, %jit3A_626, %jit3A_623 : i32
        %rem3A_628 = arith.remsi %add3A_571, %select_n3A_627 : i32
        %ne3A_629 = arith.constant 0 : i32
        %ne3A_630 = arith.cmpi ne, %rem3A_628, %ne3A_629 : i32
        %lt3A_631 = arith.constant 0 : i32
        %lt3A_632 = arith.cmpi slt, %rem3A_628, %lt3A_631 : i32
        %lt3A_633 = arith.constant 0 : i32
        %lt3A_634 = arith.cmpi slt, %select_n3A_627, %lt3A_633 : i32
        %ne3A_635 = arith.xori %lt3A_632, %lt3A_634 : i1
        %and3A_636 = arith.andi %ne3A_635, %ne3A_630 : i1
        %add3A_637 = arith.addi %rem3A_628, %select_n3A_627 : i32
        %select_n3A_638 = arith.select %and3A_636, %add3A_637, %rem3A_628 : i32
        %mul3A_639 = arith.constant 1664 : i32
        %mul3A_640 = arith.muli %select_n3A_638, %mul3A_639 : i32
        %multiple_of3A_641 = tpu.assume_multiple %mul3A_640, 128 : i32
        %dma_start3A_642 = arith.constant 0 : i32
        %dma_start3A_643 = tpu.memref_slice %arg7[%dma_start3A_642, %multiple_of3A_641] : memref<16x3328xf32, #tpu.memory_space<vmem>> -> memref<16x1664xf32, #tpu.memory_space<vmem>>
        %dma_start3A_644 = arith.constant 0 : i32
        %dma_start3A_645 = tpu.memref_slice %arg2[%dma_start3A_644, %add3A_622] : memref<16x100000xf32, #tpu.memory_space<hbm>> -> memref<16x1664xf32, #tpu.memory_space<hbm>>
        %dma_start3A_646 = arith.constant 0 : i32
        %dma_start3A_647 = tpu.memref_slice %arg7[%dma_start3A_646, %multiple_of3A_641] : memref<16x3328xf32, #tpu.memory_space<vmem>> -> memref<16x1664xf32, #tpu.memory_space<vmem>>
        %dma_start3A_648 = arith.constant 0 : i32
        %dma_start3A_649 = tpu.memref_slice %arg2[%dma_start3A_648, %add3A_622] : memref<16x100000xf32, #tpu.memory_space<hbm>> -> memref<16x1664xf32, #tpu.memory_space<hbm>>
        tpu.enqueue_dma source(%dma_start3A_649 : memref<16x1664xf32, #tpu.memory_space<hbm>>) target(%dma_start3A_647 : memref<16x1664xf32, #tpu.memory_space<vmem>>) target_semaphore(%arg13 : memref<!tpu.dma_semaphore, #tpu.memory_space<semaphore_mem>>)
      } else {
      }
      %lt3A_596 = arith.constant 2 : i32
      %lt3A_597 = arith.cmpi slt, %add3A_571, %lt3A_596 : i32
      %jit3A_598 = arith.constant 2 : i32
      %eq3A_599 = arith.constant 0 : i32
      %eq3A_600 = arith.cmpi eq, %jit3A_598, %eq3A_599 : i32
      %jit3A_601 = arith.constant 1 : i32
      %select_n3A_602 = arith.select %eq3A_600, %jit3A_601, %jit3A_598 : i32
      %rem3A_603 = arith.remsi %scan3A_502, %select_n3A_602 : i32
      %ne3A_604 = arith.constant 0 : i32
      %ne3A_605 = arith.cmpi ne, %rem3A_603, %ne3A_604 : i32
      %lt3A_606 = arith.constant 0 : i32
      %lt3A_607 = arith.cmpi slt, %rem3A_603, %lt3A_606 : i32
      %lt3A_608 = arith.constant 0 : i32
      %lt3A_609 = arith.cmpi slt, %select_n3A_602, %lt3A_608 : i32
      %ne3A_610 = arith.xori %lt3A_607, %lt3A_609 : i1
      %and3A_611 = arith.andi %ne3A_610, %ne3A_605 : i1
      %add3A_612 = arith.addi %rem3A_603, %select_n3A_602 : i32
      %select_n3A_613 = arith.select %and3A_611, %add3A_612, %rem3A_603 : i32
      %eq3A_614 = arith.constant 1 : i32
      %eq3A_615 = arith.cmpi eq, %select_n3A_613, %eq3A_614 : i32
      %and3A_616 = arith.andi %lt3A_597, %eq3A_615 : i1
      %convert_element_type3A_617 = arith.extui %and3A_616 : i1 to i32
      %cond3A_618 = arith.constant 0 : i32
      %cond3A_619 = arith.cmpi ne, %convert_element_type3A_617, %cond3A_618 : i32
      scf.if %cond3A_619 {
        %mul3A_620 = arith.constant 1664 : i32
        %mul3A_621 = arith.muli %add3A_571, %mul3A_620 : i32
        %add3A_622 = arith.addi %min3A_3, %mul3A_621 : i32
        %jit3A_623 = arith.constant 2 : i32
        %eq3A_624 = arith.constant 0 : i32
        %eq3A_625 = arith.cmpi eq, %jit3A_623, %eq3A_624 : i32
        %jit3A_626 = arith.constant 1 : i32
        %select_n3A_627 = arith.select %eq3A_625, %jit3A_626, %jit3A_623 : i32
        %rem3A_628 = arith.remsi %add3A_571, %select_n3A_627 : i32
        %ne3A_629 = arith.constant 0 : i32
        %ne3A_630 = arith.cmpi ne, %rem3A_628, %ne3A_629 : i32
        %lt3A_631 = arith.constant 0 : i32
        %lt3A_632 = arith.cmpi slt, %rem3A_628, %lt3A_631 : i32
        %lt3A_633 = arith.constant 0 : i32
        %lt3A_634 = arith.cmpi slt, %select_n3A_627, %lt3A_633 : i32
        %ne3A_635 = arith.xori %lt3A_632, %lt3A_634 : i1
        %and3A_636 = arith.andi %ne3A_635, %ne3A_630 : i1
        %add3A_637 = arith.addi %rem3A_628, %select_n3A_627 : i32
        %select_n3A_638 = arith.select %and3A_636, %add3A_637, %rem3A_628 : i32
        %mul3A_639 = arith.constant 1664 : i32
        %mul3A_640 = arith.muli %select_n3A_638, %mul3A_639 : i32
        %multiple_of3A_641 = tpu.assume_multiple %mul3A_640, 128 : i32
        %dma_start3A_642 = arith.constant 0 : i32
        %dma_start3A_643 = tpu.memref_slice %arg7[%dma_start3A_642, %multiple_of3A_641] : memref<16x3328xf32, #tpu.memory_space<vmem>> -> memref<16x1664xf32, #tpu.memory_space<vmem>>
        %dma_start3A_644 = arith.constant 0 : i32
        %dma_start3A_645 = tpu.memref_slice %arg2[%dma_start3A_644, %add3A_622] : memref<16x100000xf32, #tpu.memory_space<hbm>> -> memref<16x1664xf32, #tpu.memory_space<hbm>>
        %dma_start3A_646 = arith.constant 0 : i32
        %dma_start3A_647 = tpu.memref_slice %arg7[%dma_start3A_646, %multiple_of3A_641] : memref<16x3328xf32, #tpu.memory_space<vmem>> -> memref<16x1664xf32, #tpu.memory_space<vmem>>
        %dma_start3A_648 = arith.constant 0 : i32
        %dma_start3A_649 = tpu.memref_slice %arg2[%dma_start3A_648, %add3A_622] : memref<16x100000xf32, #tpu.memory_space<hbm>> -> memref<16x1664xf32, #tpu.memory_space<hbm>>
        tpu.enqueue_dma source(%dma_start3A_649 : memref<16x1664xf32, #tpu.memory_space<hbm>>) target(%dma_start3A_647 : memref<16x1664xf32, #tpu.memory_space<vmem>>) target_semaphore(%arg14 : memref<!tpu.dma_semaphore, #tpu.memory_space<semaphore_mem>>)
      } else {
      }
      scf.yield %scan3A_568 : vector<16xf32>
    }
    %scan3A_145 = arith.constant 2 : i32
    %eq3A = arith.constant 1 : i32
    %eq3A_146 = arith.cmpi eq, %add3A, %eq3A : i32
    %convert_element_type3A = arith.extui %eq3A_146 : i1 to i32
    %cond3A = arith.constant 0 : i32
    %cond3A_147 = arith.cmpi ne, %convert_element_type3A, %cond3A : i32
    scf.if %cond3A_147 {
      "tpu.region"() ({
        %run_scoped3A = tpu.sem_alloc : memref<!tpu.dma_semaphore, #tpu.memory_space<semaphore_mem>>
        tpu.enqueue_dma source(%arg4 : memref<16x128xf32, #tpu.memory_space<hbm>>) target(%arg8 : memref<16x128xf32, #tpu.memory_space<vmem>>) target_semaphore(%run_scoped3A : memref<!tpu.dma_semaphore, #tpu.memory_space<semaphore_mem>>)
        tpu.wait_dma2 semaphore(%run_scoped3A : memref<!tpu.dma_semaphore, #tpu.memory_space<semaphore_mem>>) src(%arg4 : memref<16x128xf32, #tpu.memory_space<hbm>>) dst(%arg8 : memref<16x128xf32, #tpu.memory_space<vmem>>)
        tpu.yield
      }) : () -> ()
    } else {
    }
    %add3A_148 = arith.constant 99968 : i32
    %add3A_149 = vector.broadcast %add3A_148 : i32 to vector<16xi32>
    %add3A_150 = arith.addi %add3A_149, %iota3A : vector<16xi32>
    %shift_right_logical3A = arith.constant 16 : i32
    %shift_right_logical3A_151 = vector.broadcast %shift_right_logical3A : i32 to vector<16xi32>
    %shift_right_logical3A_152 = arith.shrui %add3A_150, %shift_right_logical3A_151 : vector<16xi32>
    %xor3A = arith.xori %add3A_150, %shift_right_logical3A_152 : vector<16xi32>
    %mul3A_153 = arith.constant -2048144789 : i32
    %mul3A_154 = vector.broadcast %mul3A_153 : i32 to vector<16xi32>
    %mul3A_155 = arith.muli %xor3A, %mul3A_154 : vector<16xi32>
    %shift_right_logical3A_156 = arith.constant 13 : i32
    %shift_right_logical3A_157 = vector.broadcast %shift_right_logical3A_156 : i32 to vector<16xi32>
    %shift_right_logical3A_158 = arith.shrui %mul3A_155, %shift_right_logical3A_157 : vector<16xi32>
    %xor3A_159 = arith.xori %mul3A_155, %shift_right_logical3A_158 : vector<16xi32>
    %mul3A_160 = arith.constant -1028477387 : i32
    %mul3A_161 = vector.broadcast %mul3A_160 : i32 to vector<16xi32>
    %mul3A_162 = arith.muli %xor3A_159, %mul3A_161 : vector<16xi32>
    %shift_right_logical3A_163 = arith.constant 16 : i32
    %shift_right_logical3A_164 = vector.broadcast %shift_right_logical3A_163 : i32 to vector<16xi32>
    %shift_right_logical3A_165 = arith.shrui %mul3A_162, %shift_right_logical3A_164 : vector<16xi32>
    %xor3A_166 = arith.xori %mul3A_162, %shift_right_logical3A_165 : vector<16xi32>
    %shift_right_logical3A_167 = arith.constant 9 : i32
    %shift_right_logical3A_168 = vector.broadcast %shift_right_logical3A_167 : i32 to vector<16xi32>
    %shift_right_logical3A_169 = arith.shrui %xor3A_166, %shift_right_logical3A_168 : vector<16xi32>
    %or3A = arith.constant 1065353216 : i32
    %or3A_170 = vector.broadcast %or3A : i32 to vector<16xi32>
    %or3A_171 = arith.ori %shift_right_logical3A_169, %or3A_170 : vector<16xi32>
    %bitcast3A = vector.bitcast %or3A_171 : vector<16xi32> to vector<16xf32>
    %sub3A = arith.constant 1.000000e+00 : f32
    %sub3A_172 = vector.broadcast %sub3A : f32 to vector<16xf32>
    %sub3A_173 = arith.subf %bitcast3A, %sub3A_172 : vector<16xf32>
    %get3A_174 = arith.constant 0 : i32
    %get3A_175 = arith.index_cast %get3A_174 : i32 to index
    %get3A_176 = arith.constant 96 : index
    %get3A_177 = tpu.vector_load %arg8[%get3A_175, %get3A_176] {strides = array<i32>} : memref<16x128xf32, #tpu.memory_space<vmem>>, vector<16xf32>,
    %get3A_178 = arith.constant 1 : i32
    %get3A_179 = arith.index_cast %get3A_178 : i32 to index
    %get3A_180 = arith.constant 96 : index
    %get3A_181 = tpu.vector_load %arg8[%get3A_179, %get3A_180] {strides = array<i32>} : memref<16x128xf32, #tpu.memory_space<vmem>>, vector<16xf32>,
    %get3A_182 = arith.constant 2 : i32
    %get3A_183 = arith.index_cast %get3A_182 : i32 to index
    %get3A_184 = arith.constant 96 : index
    %get3A_185 = tpu.vector_load %arg8[%get3A_183, %get3A_184] {strides = array<i32>} : memref<16x128xf32, #tpu.memory_space<vmem>>, vector<16xf32>,
    %get3A_186 = arith.constant 3 : i32
    %get3A_187 = arith.index_cast %get3A_186 : i32 to index
    %get3A_188 = arith.constant 96 : index
    %get3A_189 = tpu.vector_load %arg8[%get3A_187, %get3A_188] {strides = array<i32>} : memref<16x128xf32, #tpu.memory_space<vmem>>, vector<16xf32>,
    %get3A_190 = arith.constant 4 : i32
    %get3A_191 = arith.index_cast %get3A_190 : i32 to index
    %get3A_192 = arith.constant 96 : index
    %get3A_193 = tpu.vector_load %arg8[%get3A_191, %get3A_192] {strides = array<i32>} : memref<16x128xf32, #tpu.memory_space<vmem>>, vector<16xf32>,
    %get3A_194 = arith.constant 5 : i32
    %get3A_195 = arith.index_cast %get3A_194 : i32 to index
    %get3A_196 = arith.constant 96 : index
    %get3A_197 = tpu.vector_load %arg8[%get3A_195, %get3A_196] {strides = array<i32>} : memref<16x128xf32, #tpu.memory_space<vmem>>, vector<16xf32>,
    %get3A_198 = arith.constant 6 : i32
    %get3A_199 = arith.index_cast %get3A_198 : i32 to index
    %get3A_200 = arith.constant 96 : index
    %get3A_201 = tpu.vector_load %arg8[%get3A_199, %get3A_200] {strides = array<i32>} : memref<16x128xf32, #tpu.memory_space<vmem>>, vector<16xf32>,
    %get3A_202 = arith.constant 7 : i32
    %get3A_203 = arith.index_cast %get3A_202 : i32 to index
    %get3A_204 = arith.constant 96 : index
    %get3A_205 = tpu.vector_load %arg8[%get3A_203, %get3A_204] {strides = array<i32>} : memref<16x128xf32, #tpu.memory_space<vmem>>, vector<16xf32>,
    %get3A_206 = arith.constant 8 : i32
    %get3A_207 = arith.index_cast %get3A_206 : i32 to index
    %get3A_208 = arith.constant 96 : index
    %get3A_209 = tpu.vector_load %arg8[%get3A_207, %get3A_208] {strides = array<i32>} : memref<16x128xf32, #tpu.memory_space<vmem>>, vector<16xf32>,
    %get3A_210 = arith.constant 9 : i32
    %get3A_211 = arith.index_cast %get3A_210 : i32 to index
    %get3A_212 = arith.constant 96 : index
    %get3A_213 = tpu.vector_load %arg8[%get3A_211, %get3A_212] {strides = array<i32>} : memref<16x128xf32, #tpu.memory_space<vmem>>, vector<16xf32>,
    %get3A_214 = arith.constant 10 : i32
    %get3A_215 = arith.index_cast %get3A_214 : i32 to index
    %get3A_216 = arith.constant 96 : index
    %get3A_217 = tpu.vector_load %arg8[%get3A_215, %get3A_216] {strides = array<i32>} : memref<16x128xf32, #tpu.memory_space<vmem>>, vector<16xf32>,
    %get3A_218 = arith.constant 11 : i32
    %get3A_219 = arith.index_cast %get3A_218 : i32 to index
    %get3A_220 = arith.constant 96 : index
    %get3A_221 = tpu.vector_load %arg8[%get3A_219, %get3A_220] {strides = array<i32>} : memref<16x128xf32, #tpu.memory_space<vmem>>, vector<16xf32>,
    %get3A_222 = arith.constant 12 : i32
    %get3A_223 = arith.index_cast %get3A_222 : i32 to index
    %get3A_224 = arith.constant 96 : index
    %get3A_225 = tpu.vector_load %arg8[%get3A_223, %get3A_224] {strides = array<i32>} : memref<16x128xf32, #tpu.memory_space<vmem>>, vector<16xf32>,
    %get3A_226 = arith.constant 13 : i32
    %get3A_227 = arith.index_cast %get3A_226 : i32 to index
    %get3A_228 = arith.constant 96 : index
    %get3A_229 = tpu.vector_load %arg8[%get3A_227, %get3A_228] {strides = array<i32>} : memref<16x128xf32, #tpu.memory_space<vmem>>, vector<16xf32>,
    %get3A_230 = arith.constant 14 : i32
    %get3A_231 = arith.index_cast %get3A_230 : i32 to index
    %get3A_232 = arith.constant 96 : index
    %get3A_233 = tpu.vector_load %arg8[%get3A_231, %get3A_232] {strides = array<i32>} : memref<16x128xf32, #tpu.memory_space<vmem>>, vector<16xf32>,
    %get3A_234 = arith.constant 15 : i32
    %get3A_235 = arith.index_cast %get3A_234 : i32 to index
    %get3A_236 = arith.constant 96 : index
    %get3A_237 = tpu.vector_load %arg8[%get3A_235, %get3A_236] {strides = array<i32>} : memref<16x128xf32, #tpu.memory_space<vmem>>, vector<16xf32>,
    %add3A_238 = arith.addf %get3A_177, %get3A_181 : vector<16xf32>
    %add3A_239 = arith.addf %add3A_238, %get3A_185 : vector<16xf32>
    %add3A_240 = arith.addf %add3A_239, %get3A_189 : vector<16xf32>
    %add3A_241 = arith.addf %add3A_240, %get3A_193 : vector<16xf32>
    %add3A_242 = arith.addf %add3A_241, %get3A_197 : vector<16xf32>
    %add3A_243 = arith.addf %add3A_242, %get3A_201 : vector<16xf32>
    %add3A_244 = arith.addf %add3A_243, %get3A_205 : vector<16xf32>
    %add3A_245 = arith.addf %add3A_244, %get3A_209 : vector<16xf32>
    %add3A_246 = arith.addf %add3A_245, %get3A_213 : vector<16xf32>
    %add3A_247 = arith.addf %add3A_246, %get3A_217 : vector<16xf32>
    %add3A_248 = arith.addf %add3A_247, %get3A_221 : vector<16xf32>
    %add3A_249 = arith.addf %add3A_248, %get3A_225 : vector<16xf32>
    %add3A_250 = arith.addf %add3A_249, %get3A_229 : vector<16xf32>
    %add3A_251 = arith.addf %add3A_250, %get3A_233 : vector<16xf32>
    %add3A_252 = arith.addf %add3A_251, %get3A_237 : vector<16xf32>
    %mul3A_253 = arith.mulf %sub3A_173, %add3A_252 : vector<16xf32>
    %lt3A = arith.cmpf olt, %get3A_177, %mul3A_253 : vector<16xf32>
    %select_n3A = arith.select %lt3A, %broadcast_in_dim3A_28, %broadcast_in_dim3A_30 : vector<16xi1>, vector<16xi32>
    %lt3A_254 = arith.cmpf olt, %add3A_238, %mul3A_253 : vector<16xf32>
    %select_n3A_255 = arith.select %lt3A_254, %broadcast_in_dim3A_28, %broadcast_in_dim3A_30 : vector<16xi1>, vector<16xi32>
    %lt3A_256 = arith.cmpf olt, %add3A_239, %mul3A_253 : vector<16xf32>
    %select_n3A_257 = arith.select %lt3A_256, %broadcast_in_dim3A_28, %broadcast_in_dim3A_30 : vector<16xi1>, vector<16xi32>
    %lt3A_258 = arith.cmpf olt, %add3A_240, %mul3A_253 : vector<16xf32>
    %select_n3A_259 = arith.select %lt3A_258, %broadcast_in_dim3A_28, %broadcast_in_dim3A_30 : vector<16xi1>, vector<16xi32>
    %lt3A_260 = arith.cmpf olt, %add3A_241, %mul3A_253 : vector<16xf32>
    %select_n3A_261 = arith.select %lt3A_260, %broadcast_in_dim3A_28, %broadcast_in_dim3A_30 : vector<16xi1>, vector<16xi32>
    %lt3A_262 = arith.cmpf olt, %add3A_242, %mul3A_253 : vector<16xf32>
    %select_n3A_263 = arith.select %lt3A_262, %broadcast_in_dim3A_28, %broadcast_in_dim3A_30 : vector<16xi1>, vector<16xi32>
    %lt3A_264 = arith.cmpf olt, %add3A_243, %mul3A_253 : vector<16xf32>
    %select_n3A_265 = arith.select %lt3A_264, %broadcast_in_dim3A_28, %broadcast_in_dim3A_30 : vector<16xi1>, vector<16xi32>
    %lt3A_266 = arith.cmpf olt, %add3A_244, %mul3A_253 : vector<16xf32>
    %select_n3A_267 = arith.select %lt3A_266, %broadcast_in_dim3A_28, %broadcast_in_dim3A_30 : vector<16xi1>, vector<16xi32>
    %lt3A_268 = arith.cmpf olt, %add3A_245, %mul3A_253 : vector<16xf32>
    %select_n3A_269 = arith.select %lt3A_268, %broadcast_in_dim3A_28, %broadcast_in_dim3A_30 : vector<16xi1>, vector<16xi32>
    %lt3A_270 = arith.cmpf olt, %add3A_246, %mul3A_253 : vector<16xf32>
    %select_n3A_271 = arith.select %lt3A_270, %broadcast_in_dim3A_28, %broadcast_in_dim3A_30 : vector<16xi1>, vector<16xi32>
    %lt3A_272 = arith.cmpf olt, %add3A_247, %mul3A_253 : vector<16xf32>
    %select_n3A_273 = arith.select %lt3A_272, %broadcast_in_dim3A_28, %broadcast_in_dim3A_30 : vector<16xi1>, vector<16xi32>
    %lt3A_274 = arith.cmpf olt, %add3A_248, %mul3A_253 : vector<16xf32>
    %select_n3A_275 = arith.select %lt3A_274, %broadcast_in_dim3A_28, %broadcast_in_dim3A_30 : vector<16xi1>, vector<16xi32>
    %lt3A_276 = arith.cmpf olt, %add3A_249, %mul3A_253 : vector<16xf32>
    %select_n3A_277 = arith.select %lt3A_276, %broadcast_in_dim3A_28, %broadcast_in_dim3A_30 : vector<16xi1>, vector<16xi32>
    %lt3A_278 = arith.cmpf olt, %add3A_250, %mul3A_253 : vector<16xf32>
    %select_n3A_279 = arith.select %lt3A_278, %broadcast_in_dim3A_28, %broadcast_in_dim3A_30 : vector<16xi1>, vector<16xi32>
    %lt3A_280 = arith.cmpf olt, %add3A_251, %mul3A_253 : vector<16xf32>
    %select_n3A_281 = arith.select %lt3A_280, %broadcast_in_dim3A_28, %broadcast_in_dim3A_30 : vector<16xi1>, vector<16xi32>
    %lt3A_282 = arith.cmpf olt, %add3A_252, %mul3A_253 : vector<16xf32>
    %select_n3A_283 = arith.select %lt3A_282, %broadcast_in_dim3A_28, %broadcast_in_dim3A_30 : vector<16xi1>, vector<16xi32>
    %add3A_284 = arith.addi %select_n3A, %select_n3A_255 : vector<16xi32>
    %add3A_285 = arith.addi %select_n3A_257, %select_n3A_259 : vector<16xi32>
    %add3A_286 = arith.addi %select_n3A_261, %select_n3A_263 : vector<16xi32>
    %add3A_287 = arith.addi %select_n3A_265, %select_n3A_267 : vector<16xi32>
    %add3A_288 = arith.addi %select_n3A_269, %select_n3A_271 : vector<16xi32>
    %add3A_289 = arith.addi %select_n3A_273, %select_n3A_275 : vector<16xi32>
    %add3A_290 = arith.addi %select_n3A_277, %select_n3A_279 : vector<16xi32>
    %add3A_291 = arith.addi %select_n3A_281, %select_n3A_283 : vector<16xi32>
    %add3A_292 = arith.addi %add3A_284, %add3A_285 : vector<16xi32>
    %add3A_293 = arith.addi %add3A_286, %add3A_287 : vector<16xi32>
    %add3A_294 = arith.addi %add3A_288, %add3A_289 : vector<16xi32>
    %add3A_295 = arith.addi %add3A_290, %add3A_291 : vector<16xi32>
    %add3A_296 = arith.addi %add3A_292, %add3A_293 : vector<16xi32>
    %add3A_297 = arith.addi %add3A_294, %add3A_295 : vector<16xi32>
    %add3A_298 = arith.addi %add3A_296, %add3A_297 : vector<16xi32>
    %gather3A = tpu.vector_load_idx %arg9[%add3A_298] : memref<32xf32, #tpu.memory_space<vmem>>[vector<16xi32>], vector<16xf32>,
    %mul3A_299 = arith.mulf %broadcast_in_dim3A_26, %gather3A : vector<16xf32>
    %add3A_300 = arith.constant 99984 : i32
    %add3A_301 = vector.broadcast %add3A_300 : i32 to vector<16xi32>
    %add3A_302 = arith.addi %add3A_301, %iota3A : vector<16xi32>
    %shift_right_logical3A_303 = arith.constant 16 : i32
    %shift_right_logical3A_304 = vector.broadcast %shift_right_logical3A_303 : i32 to vector<16xi32>
    %shift_right_logical3A_305 = arith.shrui %add3A_302, %shift_right_logical3A_304 : vector<16xi32>
    %xor3A_306 = arith.xori %add3A_302, %shift_right_logical3A_305 : vector<16xi32>
    %mul3A_307 = arith.constant -2048144789 : i32
    %mul3A_308 = vector.broadcast %mul3A_307 : i32 to vector<16xi32>
    %mul3A_309 = arith.muli %xor3A_306, %mul3A_308 : vector<16xi32>
    %shift_right_logical3A_310 = arith.constant 13 : i32
    %shift_right_logical3A_311 = vector.broadcast %shift_right_logical3A_310 : i32 to vector<16xi32>
    %shift_right_logical3A_312 = arith.shrui %mul3A_309, %shift_right_logical3A_311 : vector<16xi32>
    %xor3A_313 = arith.xori %mul3A_309, %shift_right_logical3A_312 : vector<16xi32>
    %mul3A_314 = arith.constant -1028477387 : i32
    %mul3A_315 = vector.broadcast %mul3A_314 : i32 to vector<16xi32>
    %mul3A_316 = arith.muli %xor3A_313, %mul3A_315 : vector<16xi32>
    %shift_right_logical3A_317 = arith.constant 16 : i32
    %shift_right_logical3A_318 = vector.broadcast %shift_right_logical3A_317 : i32 to vector<16xi32>
    %shift_right_logical3A_319 = arith.shrui %mul3A_316, %shift_right_logical3A_318 : vector<16xi32>
    %xor3A_320 = arith.xori %mul3A_316, %shift_right_logical3A_319 : vector<16xi32>
    %shift_right_logical3A_321 = arith.constant 9 : i32
    %shift_right_logical3A_322 = vector.broadcast %shift_right_logical3A_321 : i32 to vector<16xi32>
    %shift_right_logical3A_323 = arith.shrui %xor3A_320, %shift_right_logical3A_322 : vector<16xi32>
    %or3A_324 = arith.constant 1065353216 : i32
    %or3A_325 = vector.broadcast %or3A_324 : i32 to vector<16xi32>
    %or3A_326 = arith.ori %shift_right_logical3A_323, %or3A_325 : vector<16xi32>
    %bitcast3A_327 = vector.bitcast %or3A_326 : vector<16xi32> to vector<16xf32>
    %sub3A_328 = arith.constant 1.000000e+00 : f32
    %sub3A_329 = vector.broadcast %sub3A_328 : f32 to vector<16xf32>
    %sub3A_330 = arith.subf %bitcast3A_327, %sub3A_329 : vector<16xf32>
    %get3A_331 = arith.constant 0 : i32
    %get3A_332 = arith.index_cast %get3A_331 : i32 to index
    %get3A_333 = arith.constant 112 : index
    %get3A_334 = tpu.vector_load %arg8[%get3A_332, %get3A_333] {strides = array<i32>} : memref<16x128xf32, #tpu.memory_space<vmem>>, vector<16xf32>,
    %get3A_335 = arith.constant 1 : i32
    %get3A_336 = arith.index_cast %get3A_335 : i32 to index
    %get3A_337 = arith.constant 112 : index
    %get3A_338 = tpu.vector_load %arg8[%get3A_336, %get3A_337] {strides = array<i32>} : memref<16x128xf32, #tpu.memory_space<vmem>>, vector<16xf32>,
    %get3A_339 = arith.constant 2 : i32
    %get3A_340 = arith.index_cast %get3A_339 : i32 to index
    %get3A_341 = arith.constant 112 : index
    %get3A_342 = tpu.vector_load %arg8[%get3A_340, %get3A_341] {strides = array<i32>} : memref<16x128xf32, #tpu.memory_space<vmem>>, vector<16xf32>,
    %get3A_343 = arith.constant 3 : i32
    %get3A_344 = arith.index_cast %get3A_343 : i32 to index
    %get3A_345 = arith.constant 112 : index
    %get3A_346 = tpu.vector_load %arg8[%get3A_344, %get3A_345] {strides = array<i32>} : memref<16x128xf32, #tpu.memory_space<vmem>>, vector<16xf32>,
    %get3A_347 = arith.constant 4 : i32
    %get3A_348 = arith.index_cast %get3A_347 : i32 to index
    %get3A_349 = arith.constant 112 : index
    %get3A_350 = tpu.vector_load %arg8[%get3A_348, %get3A_349] {strides = array<i32>} : memref<16x128xf32, #tpu.memory_space<vmem>>, vector<16xf32>,
    %get3A_351 = arith.constant 5 : i32
    %get3A_352 = arith.index_cast %get3A_351 : i32 to index
    %get3A_353 = arith.constant 112 : index
    %get3A_354 = tpu.vector_load %arg8[%get3A_352, %get3A_353] {strides = array<i32>} : memref<16x128xf32, #tpu.memory_space<vmem>>, vector<16xf32>,
    %get3A_355 = arith.constant 6 : i32
    %get3A_356 = arith.index_cast %get3A_355 : i32 to index
    %get3A_357 = arith.constant 112 : index
    %get3A_358 = tpu.vector_load %arg8[%get3A_356, %get3A_357] {strides = array<i32>} : memref<16x128xf32, #tpu.memory_space<vmem>>, vector<16xf32>,
    %get3A_359 = arith.constant 7 : i32
    %get3A_360 = arith.index_cast %get3A_359 : i32 to index
    %get3A_361 = arith.constant 112 : index
    %get3A_362 = tpu.vector_load %arg8[%get3A_360, %get3A_361] {strides = array<i32>} : memref<16x128xf32, #tpu.memory_space<vmem>>, vector<16xf32>,
    %get3A_363 = arith.constant 8 : i32
    %get3A_364 = arith.index_cast %get3A_363 : i32 to index
    %get3A_365 = arith.constant 112 : index
    %get3A_366 = tpu.vector_load %arg8[%get3A_364, %get3A_365] {strides = array<i32>} : memref<16x128xf32, #tpu.memory_space<vmem>>, vector<16xf32>,
    %get3A_367 = arith.constant 9 : i32
    %get3A_368 = arith.index_cast %get3A_367 : i32 to index
    %get3A_369 = arith.constant 112 : index
    %get3A_370 = tpu.vector_load %arg8[%get3A_368, %get3A_369] {strides = array<i32>} : memref<16x128xf32, #tpu.memory_space<vmem>>, vector<16xf32>,
    %get3A_371 = arith.constant 10 : i32
    %get3A_372 = arith.index_cast %get3A_371 : i32 to index
    %get3A_373 = arith.constant 112 : index
    %get3A_374 = tpu.vector_load %arg8[%get3A_372, %get3A_373] {strides = array<i32>} : memref<16x128xf32, #tpu.memory_space<vmem>>, vector<16xf32>,
    %get3A_375 = arith.constant 11 : i32
    %get3A_376 = arith.index_cast %get3A_375 : i32 to index
    %get3A_377 = arith.constant 112 : index
    %get3A_378 = tpu.vector_load %arg8[%get3A_376, %get3A_377] {strides = array<i32>} : memref<16x128xf32, #tpu.memory_space<vmem>>, vector<16xf32>,
    %get3A_379 = arith.constant 12 : i32
    %get3A_380 = arith.index_cast %get3A_379 : i32 to index
    %get3A_381 = arith.constant 112 : index
    %get3A_382 = tpu.vector_load %arg8[%get3A_380, %get3A_381] {strides = array<i32>} : memref<16x128xf32, #tpu.memory_space<vmem>>, vector<16xf32>,
    %get3A_383 = arith.constant 13 : i32
    %get3A_384 = arith.index_cast %get3A_383 : i32 to index
    %get3A_385 = arith.constant 112 : index
    %get3A_386 = tpu.vector_load %arg8[%get3A_384, %get3A_385] {strides = array<i32>} : memref<16x128xf32, #tpu.memory_space<vmem>>, vector<16xf32>,
    %get3A_387 = arith.constant 14 : i32
    %get3A_388 = arith.index_cast %get3A_387 : i32 to index
    %get3A_389 = arith.constant 112 : index
    %get3A_390 = tpu.vector_load %arg8[%get3A_388, %get3A_389] {strides = array<i32>} : memref<16x128xf32, #tpu.memory_space<vmem>>, vector<16xf32>,
    %get3A_391 = arith.constant 15 : i32
    %get3A_392 = arith.index_cast %get3A_391 : i32 to index
    %get3A_393 = arith.constant 112 : index
    %get3A_394 = tpu.vector_load %arg8[%get3A_392, %get3A_393] {strides = array<i32>} : memref<16x128xf32, #tpu.memory_space<vmem>>, vector<16xf32>,
    %add3A_395 = arith.addf %get3A_334, %get3A_338 : vector<16xf32>
    %add3A_396 = arith.addf %add3A_395, %get3A_342 : vector<16xf32>
    %add3A_397 = arith.addf %add3A_396, %get3A_346 : vector<16xf32>
    %add3A_398 = arith.addf %add3A_397, %get3A_350 : vector<16xf32>
    %add3A_399 = arith.addf %add3A_398, %get3A_354 : vector<16xf32>
    %add3A_400 = arith.addf %add3A_399, %get3A_358 : vector<16xf32>
    %add3A_401 = arith.addf %add3A_400, %get3A_362 : vector<16xf32>
    %add3A_402 = arith.addf %add3A_401, %get3A_366 : vector<16xf32>
    %add3A_403 = arith.addf %add3A_402, %get3A_370 : vector<16xf32>
    %add3A_404 = arith.addf %add3A_403, %get3A_374 : vector<16xf32>
    %add3A_405 = arith.addf %add3A_404, %get3A_378 : vector<16xf32>
    %add3A_406 = arith.addf %add3A_405, %get3A_382 : vector<16xf32>
    %add3A_407 = arith.addf %add3A_406, %get3A_386 : vector<16xf32>
    %add3A_408 = arith.addf %add3A_407, %get3A_390 : vector<16xf32>
    %add3A_409 = arith.addf %add3A_408, %get3A_394 : vector<16xf32>
    %mul3A_410 = arith.mulf %sub3A_330, %add3A_409 : vector<16xf32>
    %lt3A_411 = arith.cmpf olt, %get3A_334, %mul3A_410 : vector<16xf32>
    %select_n3A_412 = arith.select %lt3A_411, %broadcast_in_dim3A_28, %broadcast_in_dim3A_30 : vector<16xi1>, vector<16xi32>
    %lt3A_413 = arith.cmpf olt, %add3A_395, %mul3A_410 : vector<16xf32>
    %select_n3A_414 = arith.select %lt3A_413, %broadcast_in_dim3A_28, %broadcast_in_dim3A_30 : vector<16xi1>, vector<16xi32>
    %lt3A_415 = arith.cmpf olt, %add3A_396, %mul3A_410 : vector<16xf32>
    %select_n3A_416 = arith.select %lt3A_415, %broadcast_in_dim3A_28, %broadcast_in_dim3A_30 : vector<16xi1>, vector<16xi32>
    %lt3A_417 = arith.cmpf olt, %add3A_397, %mul3A_410 : vector<16xf32>
    %select_n3A_418 = arith.select %lt3A_417, %broadcast_in_dim3A_28, %broadcast_in_dim3A_30 : vector<16xi1>, vector<16xi32>
    %lt3A_419 = arith.cmpf olt, %add3A_398, %mul3A_410 : vector<16xf32>
    %select_n3A_420 = arith.select %lt3A_419, %broadcast_in_dim3A_28, %broadcast_in_dim3A_30 : vector<16xi1>, vector<16xi32>
    %lt3A_421 = arith.cmpf olt, %add3A_399, %mul3A_410 : vector<16xf32>
    %select_n3A_422 = arith.select %lt3A_421, %broadcast_in_dim3A_28, %broadcast_in_dim3A_30 : vector<16xi1>, vector<16xi32>
    %lt3A_423 = arith.cmpf olt, %add3A_400, %mul3A_410 : vector<16xf32>
    %select_n3A_424 = arith.select %lt3A_423, %broadcast_in_dim3A_28, %broadcast_in_dim3A_30 : vector<16xi1>, vector<16xi32>
    %lt3A_425 = arith.cmpf olt, %add3A_401, %mul3A_410 : vector<16xf32>
    %select_n3A_426 = arith.select %lt3A_425, %broadcast_in_dim3A_28, %broadcast_in_dim3A_30 : vector<16xi1>, vector<16xi32>
    %lt3A_427 = arith.cmpf olt, %add3A_402, %mul3A_410 : vector<16xf32>
    %select_n3A_428 = arith.select %lt3A_427, %broadcast_in_dim3A_28, %broadcast_in_dim3A_30 : vector<16xi1>, vector<16xi32>
    %lt3A_429 = arith.cmpf olt, %add3A_403, %mul3A_410 : vector<16xf32>
    %select_n3A_430 = arith.select %lt3A_429, %broadcast_in_dim3A_28, %broadcast_in_dim3A_30 : vector<16xi1>, vector<16xi32>
    %lt3A_431 = arith.cmpf olt, %add3A_404, %mul3A_410 : vector<16xf32>
    %select_n3A_432 = arith.select %lt3A_431, %broadcast_in_dim3A_28, %broadcast_in_dim3A_30 : vector<16xi1>, vector<16xi32>
    %lt3A_433 = arith.cmpf olt, %add3A_405, %mul3A_410 : vector<16xf32>
    %select_n3A_434 = arith.select %lt3A_433, %broadcast_in_dim3A_28, %broadcast_in_dim3A_30 : vector<16xi1>, vector<16xi32>
    %lt3A_435 = arith.cmpf olt, %add3A_406, %mul3A_410 : vector<16xf32>
    %select_n3A_436 = arith.select %lt3A_435, %broadcast_in_dim3A_28, %broadcast_in_dim3A_30 : vector<16xi1>, vector<16xi32>
    %lt3A_437 = arith.cmpf olt, %add3A_407, %mul3A_410 : vector<16xf32>
    %select_n3A_438 = arith.select %lt3A_437, %broadcast_in_dim3A_28, %broadcast_in_dim3A_30 : vector<16xi1>, vector<16xi32>
    %lt3A_439 = arith.cmpf olt, %add3A_408, %mul3A_410 : vector<16xf32>
    %select_n3A_440 = arith.select %lt3A_439, %broadcast_in_dim3A_28, %broadcast_in_dim3A_30 : vector<16xi1>, vector<16xi32>
    %lt3A_441 = arith.cmpf olt, %add3A_409, %mul3A_410 : vector<16xf32>
    %select_n3A_442 = arith.select %lt3A_441, %broadcast_in_dim3A_28, %broadcast_in_dim3A_30 : vector<16xi1>, vector<16xi32>
    %add3A_443 = arith.addi %select_n3A_412, %select_n3A_414 : vector<16xi32>
    %add3A_444 = arith.addi %select_n3A_416, %select_n3A_418 : vector<16xi32>
    %add3A_445 = arith.addi %select_n3A_420, %select_n3A_422 : vector<16xi32>
    %add3A_446 = arith.addi %select_n3A_424, %select_n3A_426 : vector<16xi32>
    %add3A_447 = arith.addi %select_n3A_428, %select_n3A_430 : vector<16xi32>
    %add3A_448 = arith.addi %select_n3A_432, %select_n3A_434 : vector<16xi32>
    %add3A_449 = arith.addi %select_n3A_436, %select_n3A_438 : vector<16xi32>
    %add3A_450 = arith.addi %select_n3A_440, %select_n3A_442 : vector<16xi32>
    %add3A_451 = arith.addi %add3A_443, %add3A_444 : vector<16xi32>
    %add3A_452 = arith.addi %add3A_445, %add3A_446 : vector<16xi32>
    %add3A_453 = arith.addi %add3A_447, %add3A_448 : vector<16xi32>
    %add3A_454 = arith.addi %add3A_449, %add3A_450 : vector<16xi32>
    %add3A_455 = arith.addi %add3A_451, %add3A_452 : vector<16xi32>
    %add3A_456 = arith.addi %add3A_453, %add3A_454 : vector<16xi32>
    %add3A_457 = arith.addi %add3A_455, %add3A_456 : vector<16xi32>
    %gather3A_458 = tpu.vector_load_idx %arg9[%add3A_457] : memref<32xf32, #tpu.memory_space<vmem>>[vector<16xi32>], vector<16xf32>,
    %mul3A_459 = arith.mulf %mul3A_299, %gather3A_458 : vector<16xf32>
    %eq3A_460 = arith.constant 1 : i32
    %eq3A_461 = arith.cmpi eq, %add3A, %eq3A_460 : i32
    %broadcast_in_dim3A_462 = vector.broadcast %eq3A_461 : i1 to vector<16xi1>
    %select_n3A_463 = arith.select %broadcast_in_dim3A_462, %mul3A_459, %broadcast_in_dim3A_26 : vector<16xi1>, vector<16xf32>
    %mul3A_464 = arith.mulf %scan3A_144, %select_n3A_463 : vector<16xf32>
    %swap3A_465 = arith.constant 0 : index
    %swap3A_466 = tpu.vector_load %arg11[%swap3A_465] {strides = array<i32>} : memref<16xf32, #tpu.memory_space<vmem>>, vector<16xf32>,
    tpu.vector_store %arg11[%swap3A_465], %mul3A_464 {strides = array<i32>} : memref<16xf32, #tpu.memory_space<vmem>>, vector<16xf32>,
    %xor3A_467 = arith.constant 8 : i32
    %xor3A_468 = vector.broadcast %xor3A_467 : i32 to vector<16xi32>
    %xor3A_469 = arith.xori %iota3A, %xor3A_468 : vector<16xi32>
    %gather3A_470 = tpu.vector_load_idx %arg11[%xor3A_469] : memref<16xf32, #tpu.memory_space<vmem>>[vector<16xi32>], vector<16xf32>,
    %mul3A_471 = arith.mulf %mul3A_464, %gather3A_470 : vector<16xf32>
    %swap3A_472 = arith.constant 0 : index
    %swap3A_473 = tpu.vector_load %arg11[%swap3A_472] {strides = array<i32>} : memref<16xf32, #tpu.memory_space<vmem>>, vector<16xf32>,
    tpu.vector_store %arg11[%swap3A_472], %mul3A_471 {strides = array<i32>} : memref<16xf32, #tpu.memory_space<vmem>>, vector<16xf32>,
    %xor3A_474 = arith.constant 4 : i32
    %xor3A_475 = vector.broadcast %xor3A_474 : i32 to vector<16xi32>
    %xor3A_476 = arith.xori %iota3A, %xor3A_475 : vector<16xi32>
    %gather3A_477 = tpu.vector_load_idx %arg11[%xor3A_476] : memref<16xf32, #tpu.memory_space<vmem>>[vector<16xi32>], vector<16xf32>,
    %mul3A_478 = arith.mulf %mul3A_471, %gather3A_477 : vector<16xf32>
    %swap3A_479 = arith.constant 0 : index
    %swap3A_480 = tpu.vector_load %arg11[%swap3A_479] {strides = array<i32>} : memref<16xf32, #tpu.memory_space<vmem>>, vector<16xf32>,
    tpu.vector_store %arg11[%swap3A_479], %mul3A_478 {strides = array<i32>} : memref<16xf32, #tpu.memory_space<vmem>>, vector<16xf32>,
    %xor3A_481 = arith.constant 2 : i32
    %xor3A_482 = vector.broadcast %xor3A_481 : i32 to vector<16xi32>
    %xor3A_483 = arith.xori %iota3A, %xor3A_482 : vector<16xi32>
    %gather3A_484 = tpu.vector_load_idx %arg11[%xor3A_483] : memref<16xf32, #tpu.memory_space<vmem>>[vector<16xi32>], vector<16xf32>,
    %mul3A_485 = arith.mulf %mul3A_478, %gather3A_484 : vector<16xf32>
    %swap3A_486 = arith.constant 0 : index
    %swap3A_487 = tpu.vector_load %arg11[%swap3A_486] {strides = array<i32>} : memref<16xf32, #tpu.memory_space<vmem>>, vector<16xf32>,
    tpu.vector_store %arg11[%swap3A_486], %mul3A_485 {strides = array<i32>} : memref<16xf32, #tpu.memory_space<vmem>>, vector<16xf32>,
    %xor3A_488 = arith.constant 1 : i32
    %xor3A_489 = vector.broadcast %xor3A_488 : i32 to vector<16xi32>
    %xor3A_490 = arith.xori %iota3A, %xor3A_489 : vector<16xi32>
    %gather3A_491 = tpu.vector_load_idx %arg11[%xor3A_490] : memref<16xf32, #tpu.memory_space<vmem>>[vector<16xi32>], vector<16xf32>,
    %mul3A_492 = arith.mulf %mul3A_485, %gather3A_491 : vector<16xf32>
    %swap3A_493 = arith.constant 0 : index
    %swap3A_494 = tpu.vector_load %arg11[%swap3A_493] {strides = array<i32>} : memref<16xf32, #tpu.memory_space<vmem>>, vector<16xf32>,
    tpu.vector_store %arg11[%swap3A_493], %mul3A_492 {strides = array<i32>} : memref<16xf32, #tpu.memory_space<vmem>>, vector<16xf32>,
    %mul3A_495 = arith.constant 16 : i32
    %mul3A_496 = arith.muli %add3A, %mul3A_495 : i32
    "tpu.region"() ({
      %run_scoped3A = tpu.sem_alloc : memref<!tpu.dma_semaphore, #tpu.memory_space<semaphore_mem>>
      %dma_start3A_502 = tpu.memref_slice %arg5[%mul3A_496] : memref<512xf32, #tpu.memory_space<hbm>> -> memref<16xf32, #tpu.memory_space<hbm>>
      %dma_start3A_503 = tpu.memref_slice %arg5[%mul3A_496] : memref<512xf32, #tpu.memory_space<hbm>> -> memref<16xf32, #tpu.memory_space<hbm>>
      tpu.enqueue_dma source(%arg11 : memref<16xf32, #tpu.memory_space<vmem>>) target(%dma_start3A_503 : memref<16xf32, #tpu.memory_space<hbm>>) target_semaphore(%run_scoped3A : memref<!tpu.dma_semaphore, #tpu.memory_space<semaphore_mem>>)
      %dma_wait3A = tpu.memref_slice %arg5[%mul3A_496] : memref<512xf32, #tpu.memory_space<hbm>> -> memref<16xf32, #tpu.memory_space<hbm>>
      %dma_wait3A_504 = tpu.memref_slice %arg5[%mul3A_496] : memref<512xf32, #tpu.memory_space<hbm>> -> memref<16xf32, #tpu.memory_space<hbm>>
      tpu.wait_dma2 semaphore(%run_scoped3A : memref<!tpu.dma_semaphore, #tpu.memory_space<semaphore_mem>>) src(%arg11 : memref<16xf32, #tpu.memory_space<vmem>>) dst(%dma_wait3A_504 : memref<16xf32, #tpu.memory_space<hbm>>)
      tpu.yield
    }) : () -> ()
    %eq3A_497 = arith.constant 0 : i32
    %eq3A_498 = arith.cmpi eq, %add3A, %eq3A_497 : i32
    %convert_element_type3A_499 = arith.extui %eq3A_498 : i1 to i32
    %cond3A_500 = arith.constant 0 : i32
    %cond3A_501 = arith.cmpi ne, %convert_element_type3A_499, %cond3A_500 : i32
    scf.if %cond3A_501 {
      "tpu.region"() ({
        %run_scoped3A = tpu.sem_alloc : memref<!tpu.dma_semaphore, #tpu.memory_space<semaphore_mem>>
        tpu.enqueue_dma source(%arg3 : memref<32xf32, #tpu.memory_space<hbm>>) target(%arg10 : memref<32xf32, #tpu.memory_space<vmem>>) target_semaphore(%run_scoped3A : memref<!tpu.dma_semaphore, #tpu.memory_space<semaphore_mem>>)
        tpu.wait_dma2 semaphore(%run_scoped3A : memref<!tpu.dma_semaphore, #tpu.memory_space<semaphore_mem>>) src(%arg3 : memref<32xf32, #tpu.memory_space<hbm>>) dst(%arg10 : memref<32xf32, #tpu.memory_space<vmem>>)
        tpu.yield
      }) : () -> ()
      %get3A_502 = arith.constant 0 : index
      %get3A_503 = tpu.vector_load %arg10[%get3A_502] {strides = array<i32>} : memref<32xf32, #tpu.memory_space<vmem>>, vector<16xf32>,
      %get3A_504 = arith.constant 16 : index
      %get3A_505 = tpu.vector_load %arg10[%get3A_504] {strides = array<i32>} : memref<32xf32, #tpu.memory_space<vmem>>, vector<16xf32>,
      %reduce_sum3A = arith.constant true
      %reduce_sum3A_506 = vector.broadcast %reduce_sum3A : i1 to vector<16xi1>
      %reduce_sum3A_507 = tpu.scan <sum>, %get3A_503 masked %reduce_sum3A_506 : vector<16xf32>, vector<16xi1> -> vector<16xf32>
      %reduce_sum3A_508 = vector.extract %reduce_sum3A_507[15] : f32 from vector<16xf32>
      %reduce_sum3A_509 = arith.constant true
      %reduce_sum3A_510 = vector.broadcast %reduce_sum3A_509 : i1 to vector<16xi1>
      %reduce_sum3A_511 = tpu.scan <sum>, %get3A_505 masked %reduce_sum3A_510 : vector<16xf32>, vector<16xi1> -> vector<16xf32>
      %reduce_sum3A_512 = vector.extract %reduce_sum3A_511[15] : f32 from vector<16xf32>
      %add3A_513 = arith.addf %reduce_sum3A_508, %reduce_sum3A_512 : f32
      %broadcast_in_dim3A_514 = arith.constant 112345 : i32
      %broadcast_in_dim3A_515 = vector.broadcast %broadcast_in_dim3A_514 : i32 to vector<16xi32>
      %shift_right_logical3A_516 = arith.constant 16 : i32
      %shift_right_logical3A_517 = vector.broadcast %shift_right_logical3A_516 : i32 to vector<16xi32>
      %shift_right_logical3A_518 = arith.shrui %broadcast_in_dim3A_515, %shift_right_logical3A_517 : vector<16xi32>
      %xor3A_519 = arith.xori %broadcast_in_dim3A_515, %shift_right_logical3A_518 : vector<16xi32>
      %mul3A_520 = arith.constant -2048144789 : i32
      %mul3A_521 = vector.broadcast %mul3A_520 : i32 to vector<16xi32>
      %mul3A_522 = arith.muli %xor3A_519, %mul3A_521 : vector<16xi32>
      %shift_right_logical3A_523 = arith.constant 13 : i32
      %shift_right_logical3A_524 = vector.broadcast %shift_right_logical3A_523 : i32 to vector<16xi32>
      %shift_right_logical3A_525 = arith.shrui %mul3A_522, %shift_right_logical3A_524 : vector<16xi32>
      %xor3A_526 = arith.xori %mul3A_522, %shift_right_logical3A_525 : vector<16xi32>
      %mul3A_527 = arith.constant -1028477387 : i32
      %mul3A_528 = vector.broadcast %mul3A_527 : i32 to vector<16xi32>
      %mul3A_529 = arith.muli %xor3A_526, %mul3A_528 : vector<16xi32>
      %shift_right_logical3A_530 = arith.constant 16 : i32
      %shift_right_logical3A_531 = vector.broadcast %shift_right_logical3A_530 : i32 to vector<16xi32>
      %shift_right_logical3A_532 = arith.shrui %mul3A_529, %shift_right_logical3A_531 : vector<16xi32>
      %xor3A_533 = arith.xori %mul3A_529, %shift_right_logical3A_532 : vector<16xi32>
      %shift_right_logical3A_534 = arith.constant 9 : i32
      %shift_right_logical3A_535 = vector.broadcast %shift_right_logical3A_534 : i32 to vector<16xi32>
      %shift_right_logical3A_536 = arith.shrui %xor3A_533, %shift_right_logical3A_535 : vector<16xi32>
      %or3A_537 = arith.constant 1065353216 : i32
      %or3A_538 = vector.broadcast %or3A_537 : i32 to vector<16xi32>
      %or3A_539 = arith.ori %shift_right_logical3A_536, %or3A_538 : vector<16xi32>
      %bitcast3A_540 = vector.bitcast %or3A_539 : vector<16xi32> to vector<16xf32>
      %sub3A_541 = arith.constant 1.000000e+00 : f32
      %sub3A_542 = vector.broadcast %sub3A_541 : f32 to vector<16xf32>
      %sub3A_543 = arith.subf %bitcast3A_540, %sub3A_542 : vector<16xf32>
      %broadcast_in_dim3A_544 = vector.broadcast %add3A_513 : f32 to vector<16xf32>
      %mul3A_545 = arith.mulf %sub3A_543, %broadcast_in_dim3A_544 : vector<16xf32>
      %broadcast_in_dim3A_546 = arith.constant true
      %broadcast_in_dim3A_547 = vector.broadcast %broadcast_in_dim3A_546 : i1 to vector<16xi1>
      %masked_cumsum3A = tpu.scan <sum>, %get3A_503 masked %broadcast_in_dim3A_547 : vector<16xf32>, vector<16xi1> -> vector<16xf32>
      %broadcast_in_dim3A_548 = arith.constant true
      %broadcast_in_dim3A_549 = vector.broadcast %broadcast_in_dim3A_548 : i1 to vector<16xi1>
      %masked_cumsum3A_550 = tpu.scan <sum>, %get3A_505 masked %broadcast_in_dim3A_549 : vector<16xf32>, vector<16xi1> -> vector<16xf32>
      %broadcast_in_dim3A_551 = vector.broadcast %reduce_sum3A_508 : f32 to vector<16xf32>
      %add3A_552 = arith.addf %masked_cumsum3A_550, %broadcast_in_dim3A_551 : vector<16xf32>
      %lt3A_553 = arith.cmpf olt, %masked_cumsum3A, %mul3A_545 : vector<16xf32>
      %select_n3A_554 = arith.select %lt3A_553, %broadcast_in_dim3A_28, %broadcast_in_dim3A_30 : vector<16xi1>, vector<16xi32>
      %reduce_sum3A_555 = arith.constant true
      %reduce_sum3A_556 = vector.broadcast %reduce_sum3A_555 : i1 to vector<16xi1>
      %reduce_sum3A_557 = tpu.scan <sum>, %select_n3A_554 masked %reduce_sum3A_556 : vector<16xi32>, vector<16xi1> -> vector<16xi32>
      %reduce_sum3A_558 = vector.extract %reduce_sum3A_557[15] : i32 from vector<16xi32>
      %lt3A_559 = arith.cmpf olt, %add3A_552, %mul3A_545 : vector<16xf32>
      %select_n3A_560 = arith.select %lt3A_559, %broadcast_in_dim3A_28, %broadcast_in_dim3A_30 : vector<16xi1>, vector<16xi32>
      %reduce_sum3A_561 = arith.constant true
      %reduce_sum3A_562 = vector.broadcast %reduce_sum3A_561 : i1 to vector<16xi1>
      %reduce_sum3A_563 = tpu.scan <sum>, %select_n3A_560 masked %reduce_sum3A_562 : vector<16xi32>, vector<16xi1> -> vector<16xi32>
      %reduce_sum3A_564 = vector.extract %reduce_sum3A_563[15] : i32 from vector<16xi32>
      %add3A_565 = arith.addi %reduce_sum3A_558, %reduce_sum3A_564 : i32
      %broadcast_in_dim3A_566 = vector.broadcast %add3A_565 : i32 to vector<16xi32>
      %min3A_567 = arith.constant 31 : i32
      %min3A_568 = vector.broadcast %min3A_567 : i32 to vector<16xi32>
      %min3A_569 = arith.minsi %broadcast_in_dim3A_566, %min3A_568 : vector<16xi32>
      %gather3A_570 = tpu.vector_load_idx %arg10[%min3A_569] : memref<32xf32, #tpu.memory_space<vmem>>[vector<16xi32>], vector<16xf32>,
      %broadcast_in_dim3A_571 = vector.broadcast %add3A_513 : f32 to vector<16xf32>
      %add3A_572 = arith.constant 1.000000e-10 : f32
      %add3A_573 = vector.broadcast %add3A_572 : f32 to vector<16xf32>
      %add3A_574 = arith.addf %broadcast_in_dim3A_571, %add3A_573 : vector<16xf32>
      %div3A_575 = arith.divf %gather3A_570, %add3A_574 : vector<16xf32>
      %swap3A_576 = arith.constant 0 : index
      %swap3A_577 = tpu.vector_load %arg12[%swap3A_576] {strides = array<i32>} : memref<16xf32, #tpu.memory_space<vmem>>, vector<16xf32>,
      tpu.vector_store %arg12[%swap3A_576], %div3A_575 {strides = array<i32>} : memref<16xf32, #tpu.memory_space<vmem>>, vector<16xf32>,
      "tpu.region"() ({
        %run_scoped3A = tpu.sem_alloc : memref<!tpu.dma_semaphore, #tpu.memory_space<semaphore_mem>>
        tpu.enqueue_dma source(%arg12 : memref<16xf32, #tpu.memory_space<vmem>>) target(%arg6 : memref<16xf32, #tpu.memory_space<hbm>>) target_semaphore(%run_scoped3A : memref<!tpu.dma_semaphore, #tpu.memory_space<semaphore_mem>>)
        tpu.wait_dma2 semaphore(%run_scoped3A : memref<!tpu.dma_semaphore, #tpu.memory_space<semaphore_mem>>) src(%arg12 : memref<16xf32, #tpu.memory_space<vmem>>) dst(%arg6 : memref<16xf32, #tpu.memory_space<hbm>>)
        tpu.yield
      }) : () -> ()
    } else {
    }
    return
  }
}

</mosaic_0001>

<sc_bundles>
// kernel: kernel.3.cloned.1.call-start
scs
__scs_entry_jumppad:
0x0: {  	(pc) =	sbr.rel $0x88, $3  }
0x1: {  	(tag) =	ssettag $0x0;
	lr =	simm.s32 $0x1  }
0x2: {  	[smem:$0x3F9D] =	sst lr;
	_ =	strace $0xD0000000  }
0x3: {  	_ = 	snop  }
0x4: {  	_ = 	snop  }
0x5: {  	_ = 	snop  }
0x6: {  	_ = 	snop  }
0x7: {  	_ = 	snop  }
__scs_overlays_trampoline_lowered:
0x8: {  	[smem:$0x3FAC] =	sst s0  }
0x9: {  	[smem:$0x3FAD] =	sst s1  }
0xa: {  	[smem:$0x3FAE] =	sst s2  }
0xb: {  	[smem:$0x3FAF] =	sst s3  }
0xc: {  	[smem:$0x3FB0] =	sst s4  }
0xd: {  	[smem:$0x3FB1] =	sst s5  }
0xe: {  	[smem:$0x3FB2] =	sst s6  }
0xf: {  	[smem:$0x3FB3] =	sst s7  }
0x10: {  	[smem:$0x3FB4] =	sst s8  }
0x11: {  	[smem:$0x3FB5] =	sst s9;
	s0 =	simm.s32 @!p0 $0x0  }
0x12: {  	s1 =	sld [smem:$0x3F9B];
	s0 =	simm.s32 @p0 $0x1  }
0x13: {  	[smem:$0x3FB6] =	sst s0;
	s0 =	simm.s32 @!p1 $0x0  }
0x14: {  	s2 =	sld [smem:$0x3F9A];
	s0 =	simm.s32 @p1 $0x1  }
0x15: {  	[smem:$0x3FB7] =	sst s0;
	s0 =	simm.s32 @!p2 $0x0  }
0x16: {  	s3 =	sld [smem:$0x3FDB];
	s0 =	simm.s32 @p2 $0x1  }
0x17: {  	s4 =	simm.s32 $0x1BF5;
	[smem:$0x3FB9] =	sst s0  }
0x18: {  	s0 =	sld [smem:$0x3F9C];
	_ =	swait.ge [sflag:s4], $0x0  }
0x19: {  	s7 =	sld [smem:$0x3F9D]  }
0x1a: {  	s8 =	sadd.s32 $0xFFFFE003, lr  }
0x1b: {  	s9 =	sadd.s32 $0xFFFFFEF7, lr;
	s5 =	simm.s32 $0xFFFFFFFF;
	p2 =	slt.u32 s8, $0xFFFFF086  }
0x1c: {  	p1 =	slt.u32 s9, $0xF7A;
	s5 =	simm.s32 @!p2 $0x0  }
0x1d: {  	s5 =	simm.s32 @p1 $0x1;
	p0 =	seq.s32 s7, s2  }
0x1e: {  	s7 =	smul.u32 @!p0 $0xF7A, s2;
	p2 =	seq.s32 @!p0 s5, $0x0  }
0x1f: {  	s9 =	smul.u32 $0xF7A, s1;
	s8 =	simm.s32 @!p0 $0x1BF5;
	p2 =	por !p2, p0  }
0x20: {  	[sflag:s8] =	ssyncset.s32 @!p0 $0xFFFFF086;
	s6 =	sadd.s32 @!p0 s3, s7;
	s7 =	simm.s32 @!p0 $0x108  }
0x21: {  	s3 =	sadd.s32 s3, s9;
	s6 =	sadd.s32 @!p0 $0x88, s6;
	s7 =	simm.s32 @p2 $0x1082  }
0x22: {  	[simem:s7], [sflag:s8] =	dma.local @!p0 [hbm:s6], $0xF7A  }
0x23: {  	s9 =	sor.u32 $0xD0000000, s2;
	s6 =	simm.s32 $0x108;
	_ =	swait.ge @!p0 [sflag:s8], $0x0  }
0x24: {  	s3 =	sadd.s32 $0x88, s3;
	s6 =	simm.s32 @!p1 $0x1082;
	[sflag:s4] =	ssyncset.s32 $0xFFFFF086  }
0x25: {  	[simem:s6], [sflag:s4] =	dma.local [hbm:s3], $0xF7A  }
0x26: {  	[smem:$0x3F9D] =	sst s1;
	(tag) =	ssettag s2;
	_ =	strace s9  }
0x27: {  	s1 =	sld [smem:$0x3FAD]  }
0x28: {  	s2 =	sld [smem:$0x3FAE]  }
0x29: {  	s4 =	sld [smem:$0x3FB0]  }
0x2a: {  	p0 =	seq.s32 s5, $0x0;
	s5 =	sld [smem:$0x3FB1]  }
0x2b: {  	s6 =	sld [smem:$0x3FB2]  }
0x2c: {  	s7 =	sld [smem:$0x3FB3]  }
0x2d: {  	s3 =	simm.s32 $0x108;
	s8 =	sld [smem:$0x3FB4]  }
0x2e: {  	s3 =	simm.s32 @!p0 $0x1082;
	s9 =	sld [smem:$0x3FB5]  }
0x2f: {  	lr =	sadd.s32 s0, s3;
	s0 =	sld [smem:$0x3FAC]  }
0x30: {  	s3 =	sld [smem:$0x3FAF]  }
0x31: {  	[smem:$0x3FB8] =	sst s10  }
0x32: {  	s10 =	sld [smem:$0x3FB6];
	_ =	sdelay $0x3  }
0x33: {  	p0 =	seq.s32 s10, $0x1;
	s10 =	sld [smem:$0x3FB8];
	_ =	sdelay $0x3  }
0x34: {  	[smem:$0x3FB8] =	sst s10  }
0x35: {  	s10 =	sld [smem:$0x3FB7];
	_ =	sdelay $0x3  }
0x36: {  	p1 =	seq.s32 s10, $0x1;
	s10 =	sld [smem:$0x3FB8];
	_ =	sdelay $0x3  }
0x37: {  	[smem:$0x3FB8] =	sst s10  }
0x38: {  	s10 =	sld [smem:$0x3FB9]  }
0x39: {  	_ = 	snop;
	(pc) =	sbr.ind lr, $3  }
0x3a: {  	_ = 	snop  }
0x3b: {  	_ = 	snop  }
0x3c: {  	p2 =	seq.s32 s10, $0x1;
	s10 =	sld [smem:$0x3FB8]  }
0x3d: {  	_ =	shalt  }
0x3e: {  	_ =	shalt  }
0x3f: {  	_ =	shalt  }
0x40: {  	_ =	shalt  }
0x41: {  	_ =	shalt  }
0x42: {  	_ =	shalt  }
0x43: {  	_ =	shalt  }
0x44: {  	_ =	shalt  }
0x45: {  	_ =	shalt  }
0x46: {  	_ =	shalt  }
0x47: {  	_ =	shalt  }
0x48: {  	_ =	shalt  }
0x49: {  	_ =	shalt  }
0x4a: {  	_ =	shalt  }
0x4b: {  	_ =	shalt  }
0x4c: {  	_ =	shalt  }
0x4d: {  	_ =	shalt  }
0x4e: {  	_ =	shalt  }
0x4f: {  	_ =	shalt  }
0x50: {  	_ =	shalt  }
0x51: {  	_ =	shalt  }
0x52: {  	_ =	shalt  }
0x53: {  	_ =	shalt  }
0x54: {  	_ =	shalt  }
0x55: {  	_ =	shalt  }
0x56: {  	_ =	shalt  }
0x57: {  	_ =	shalt  }
0x58: {  	_ =	shalt  }
0x59: {  	_ =	shalt  }
0x5a: {  	_ =	shalt  }
0x5b: {  	_ =	shalt  }
0x5c: {  	_ =	shalt  }
0x5d: {  	_ =	shalt  }
0x5e: {  	_ =	shalt  }
0x5f: {  	_ =	shalt  }
0x60: {  	_ =	shalt  }
0x61: {  	_ =	shalt  }
0x62: {  	_ =	shalt  }
0x63: {  	_ =	shalt  }
0x64: {  	_ =	shalt  }
0x65: {  	_ =	shalt  }
0x66: {  	_ =	shalt  }
0x67: {  	_ =	shalt  }
0x68: {  	_ =	shalt  }
0x69: {  	_ =	shalt  }
0x6a: {  	_ =	shalt  }
0x6b: {  	_ =	shalt  }
0x6c: {  	_ =	shalt  }
0x6d: {  	_ =	shalt  }
0x6e: {  	_ =	shalt  }
0x6f: {  	_ =	shalt  }
0x70: {  	_ =	shalt  }
0x71: {  	_ =	shalt  }
0x72: {  	_ =	shalt  }
0x73: {  	_ =	shalt  }
0x74: {  	_ =	shalt  }
0x75: {  	_ =	shalt  }
0x76: {  	_ =	shalt  }
0x77: {  	_ =	shalt  }
0x78: {  	_ =	shalt  }
0x79: {  	_ =	shalt  }
0x7a: {  	_ =	shalt  }
0x7b: {  	_ =	shalt  }
0x7c: {  	_ =	shalt  }
0x7d: {  	_ =	shalt  }
0x7e: {  	_ =	shalt  }
0x7f: {  	_ =	shalt  }
0x80: {  	_ =	shalt  }
0x81: {  	_ =	shalt  }
0x82: {  	_ =	shalt  }
0x83: {  	_ =	shalt  }
0x84: {  	_ =	shalt  }
0x85: {  	_ =	shalt  }
0x86: {  	_ =	shalt  }
0x87: {  	_ =	shalt  }
.Lfunc_end0:
.L_simem_size_0:
called_computation_lowered:
.L_overlay_start_0:
0x88: {  	s2 =	sld [smem:$0x3FD9]  }
0x89: {  	s3 =	sld [smem:$0x3FFE];
	_ =	sdelay $0x1  }
0x8a: {  	s1 =	srdreg.scid  }
0x8b: {  	s0 =	sand.u32 $0x1, s1  }
0x8c: {  	s17 =	sshll.u32 s0, $0xA;
	s2 =	sadd.s32 s3, s2  }
0x8d: {  	s2 =	sadd.s32 s2, s17  }
0x8e: {  	[smem:$0x3FC4] =	sst s2  }
0x8f: {  	_ = 	snop  }
0x90: {  	s2 =	sld [smem:$0x3FC9]  }
0x91: {  	s18 =	sld [smem:$0x3FC8];
	(tm) =	ssettm $0x1  }
0x92: {  	s4 =	sld [smem:$0x3FFB];
	_ =	sdelay $0x3  }
0x93: {  	_ =	strace s4  }
0x94: {  	s4 =	sld [smem:$0x3FFC];
	_ =	sdelay $0x3  }
0x95: {  	_ =	strace s4  }
0x96: {  	s4 =	sld [smem:$0x3FFD];
	_ =	sdelay $0x3  }
0x97: {  	_ =	strace s4  }
0x98: {  	_ =	strace $0x8FFFFFFF  }
0x99: {  	s19 =	sld [smem:$0x3FDB];
	_ =	sdelay $0x1  }
0x9a: {  	s5 =	simm.s32 $_scs_section_size  }
0x9b: {  	s6 =	simm.s32 $_size__tile_overlayer_lowered;
	s7 =	simm.s32 $_tile_overlayer_lowered  }
0x9c: {  	s22 =	simm.s32 $0x1BFF;
	s21 =	sshll.u32 s7, $0x1;
	s4 =	sadd.s32 s5, s19  }
0x9d: {  	s8 =	simm.s32 $0x0;
	s20 =	sshll.u32 s6, $0x1;
	s6 =	sadd.s32 s21, s4  }
0x9e: {  	[timem:s8], [sflag:s22] =	dma.local [hbm:s6], s20  }
0x9f: {  	_ =	swait.ge [sflag:s22], s20  }
0xa0: {  	s5 =	ssub.s32 $0x0, s20;
	[sflag:s22] =	ssyncset.done $0x0  }
0xa1: {  	[sflag:s22] =	ssyncadd.s32 s5;
	_ =	sdelay $0x1  }
0xa2: {  	s23 =	simm.s32 $0x1B8B  }
0xa3: {  	_ =	swait.ge [sflag:s23], $0x1  }
0xa4: {  	[sflag:s23] =	ssyncset.done $0x0  }
0xa5: {  	s25 =	simm.s32 $0x1B8E;
	s24 =	sld [smem:$0x3FFE];
	[sflag:s23] =	ssyncadd.s32 $0xFFFFFFFF  }
0xa6: {  	s26 =	simm.s32 $execute0_lowered;
	[smem:$0x3FD2] =	sst s25  }
0xa7: {  	s6 =	sshll.u32 s26, $0x1;
	_ =	strace $0x80000046;
	[dreg:$0x1] =	wrdreg $0xFFFFFFFF  }
0xa8: {  	s28 =	simm.s32 $_size_execute0_lowered;
	s4 =	sadd.s32 s4, s6;
	[dreg:$0x0] =	wrdreg $0x0  }
0xa9: {  	s6 =	sshll.u32 s28, $0x1;
	[dreg:$0x2] =	wrdreg s4  }
0xaa: {  	[dreg:$0x3] =	wrdreg s6  }
0xab: {  	[dreg:$0x4] =	wrdreg $0xC0  }
0xac: {  	_ =	task [dreg:s8], $0x5FFFF  }
0xad: {  	[dreg:$0x1] =	wrdreg $0xFFFFFFFF  }
0xae: {  	[dreg:$0x0] =	wrdreg $0x60  }
0xaf: {  	[dreg:$0x2] =	wrdreg s18  }
0xb0: {  	[dreg:$0x3] =	wrdreg s2  }
0xb1: {  	[dreg:$0x4] =	wrdreg s24  }
0xb2: {  	[dreg:$0x5] =	wrdreg $0x9  }
0xb3: {  	_ =	task.clear_ibuf [dreg:s8], $0x6FFFF;
	_ =	strace $0x90000046  }
0xb4: {  	s29 =	simm.s32 $0x9;
	_ =	strace $0x80000048  }
0xb5: {  	_ =	swait.ge [sflag:s29], $0x1  }
0xb6: {  	[sflag:s29] =	ssyncadd.s32 $0xFFFFFFFF  }
0xb7: {  	_ =	strace $0x90000048  }
0xb8: {  	_ =	sfence  }
0xb9: {  	s30 =	sld [smem:$0x0];
	_ =	sdelay $0x2  }
0xba: {  	s31 =	sshll.u32 s1, $0xD;
	s1 =	sshrl.u32 s1, $0x2  }
0xbb: {  	s3 =	sand.u32 $0x4000, s31;
	s1 =	sadd.s32 s1, s30  }
0xbc: {  	s0 =	sor.u32 s3, s0;
	s1 =	sshll.u32 s1, $0x11  }
0xbd: {  	s0 =	sor.u32 s1, s0  }
0xbe: {  	s0 =	sadd.s32 $0x8F2B, s0  }
0xbf: {  	[sflag:s0] =	ssyncadd.remote.s32 $0x1  }
0xc0: {  	_ =	sfence.sel $0xFFFF  }
0xc1: {  	[dreg:$0x0] =	wrdreg $0xFFFFFFFF;
	(pc) =	sbr.abs _section_cstart, $3  }
0xc2: {  	[dreg:$0x1] =	wrdreg $0xFFFFFFFF  }
0xc3: {  	_ =	task.clear_ibuf [dreg:s8], $0x2FFFF;
	_ =	strace $0x9FFFFFFF  }
0xc4: {  	(tm) =	ssettm $0x7FFFFFFF  }
0xc5: {  	_ =	shalt  }
tec
execute0_lowered:
.L_overlay_start_1:
0x0: {  	(tag) =	ssettag $0x1  }
0x1: {  	v0 =	vimm.f32 $8.852796550e-01;
	vm3 =	vcmask $0x300  }
0x2: {  	vm8 =	vcmask $0x704;
	v0 =	vsel vm3, $0x3F4DA56C, v0  }
0x3: {  	vm9 =	vcmask $0xB08;
	v0 =	vsel vm8, $0x3F5680FE, v0  }
0x4: {  	vm10 =	vcmask $0xF0C;
	v0 =	vsel vm9, $0x3E9CD20C, v0  }
0x5: {  	vm11 =	vcmask $0x1310;
	v0 =	vsel vm10, $0x3DC3C880, v0  }
0x6: {  	vm7 =	vcmask $0x1714;
	v0 =	vsel vm11, $0x3EDEDD58, v0  }
0x7: {  	vm6 =	vcmask $0x1B18;
	vm5 =	vcmask $0x1F1C;
	v0 =	vsel vm7, $0x3F7E5D62, v0  }
0x8: {  	vm4 =	vcmask $0x2320;
	vm2 =	vcmask $0x2724;
	v0 =	vsel vm6, $0x3F007718, v0  }
0x9: {  	vm1 =	vcmask $0x2B28;
	v2 =	vimm.f32 $3.579616550e-03;
	v1 =	vsel vm5, $0x3CC8FF00, v0  }
0xa: {  	vm0 =	vcmask $0x2F2C;
	v4 =	vimm.s32 $0x32107654;
	v1 =	vsel vm4, $0x3E4883D8, v1  }
0xb: {  	vm13 =	vcmask $0x3330;
	v6 =	vimm.s32 $0xDCFE98BA;
	v1 =	vsel vm2, $0x3F17B642, v1  }
0xc: {  	v3 =	vsel vm1, $0x3F5CC3A8, v1;
	v1 =	vsel vm3, $0x3F642076, v2;
	v2 =	vimm.s32 $0xBA98FEDC  }
0xd: {  	v8 =	vimm.s32 $0x67452301;
	v4 =	vunpack.c.l.s4.s8 v4;
	v2 =	vunpack.c.l.s4.s8 v2  }
0xe: {  	vm14 =	vcmask $0x3734;
	vm15 =	vcmask $0x3B38;
	v8 =	vunpack.c.l.s4.s8 v8  }
0xf: {  	v4 =	vunpack.c.0.s8.s32 v4;
	v1 =	vsel vm8, $0x3DC5A320, v1;
	v2 =	vunpack.c.0.s8.s32 v2  }
0x10: {  	s9 =	rddreg [dreg:$0x0];
	v8 =	vunpack.c.0.s8.s32 v8;
	v0 =	vlaneseq.u32;
	v5 =	vsel vm9, $0x3F5F7118, v1  }
0x11: {  	s1 =	rddreg [dreg:$0x2];
	v5 =	vsel vm10, $0x3DB8D600, v5;
	v7 =	vcombine.low v4, v2;
	v4 =	vimm.s32 $0x54761032  }
0x12: {  	s0 =	srdreg.scid;
	s18 =	simm.s32 $0xC3800;
	s19 =	simm.s32 $0xD000;
	v5 =	vsel vm11, $0x3E0AFC20, v5;
	v2 =	vunpack.c.l.s4.s8 v6;
	v4 =	vunpack.c.l.s4.s8 v4  }
0x13: {  	s8 =	stileid.u32;
	s4 =	simm.s32 $0x0;
	s20 =	simm.s32 $0x3;
	v3 =	vsel vm0, $0x3F1E7EAC, v3;
	v5 =	vsel vm7, $0x3E77BDA0, v5;
	v6 =	vimm.s32 $0xEFCDAB89  }
0x14: {  	s21 =	simm.s32 $0xD800;
	s22 =	simm.s32 $0xD900;
	s23 =	simm.s32 $0x0;
	v5 =	vsel vm6, $0x3D681CC0, v5;
	v2 =	vunpack.c.0.s8.s32 v2;
	v4 =	vunpack.c.0.s8.s32 v4  }
0x15: {  	[smem:$0x7FF] =	sst s4;
	s5 =	sadd.s32 $0x400, s1;
	s12 =	smul.u32 $0x1A00, s8;
	v1 =	vimm.s32 $0x0;
	v6 =	vunpack.c.l.s4.s8 v6;
	v5 =	vsel vm5, $0x3ED3CD80, v5  }
0x16: {  	s2 =	sand.u32 $0x1, s0;
	s29 =	sshll.u32 s8, $0x1;
	_ =	strace $0x80000047;
	v5 =	vsel vm4, $0x3F44D1E2, v5;
	v9 =	vcombine.low v4, v2;
	v2 =	vimm.s32 $0xFEDCBA98  }
0x17: {  	s0 =	sor.u32 s2, s29;
	s30 =	ssub.s32 $0x2, s2;
	s2 =	smul.u32 $0xD00, s2;
	v3 =	vsel vm13, $0x3F4A5450, v3;
	v5 =	vsel vm2, $0x3E07E710, v5;
	v2 =	vunpack.c.l.s4.s8 v2  }
0x18: {  	s6 =	sadd.s32 $0x800, s1;
	s3 =	sshll.u32 s0, $0x1;
	s7 =	smul.u32 $0xD00, s0;
	v6 =	vunpack.c.0.s8.s32 v6;
	v4 =	vimm.s32 $0x76543210;
	v5 =	vsel vm1, $0x3F4CE084, v5  }
0x19: {  	s31 =	sshrl.u32 s30, $0x1;
	p0 =	seq.s32 s0, $0x1;
	s3 =	sadd.s32 s3, s1;
	v4 =	vunpack.c.l.s4.s8 v4;
	v5 =	vsel vm0, $0x3EFFE6F8, v5;
	v2 =	vunpack.c.0.s8.s32 v2  }
0x1a: {  	s1 =	ssub.s32 s30, s31;
	s2 =	sadd.s32 s2, s12;
	s7 =	smin.u32 s7, $0x17980;
	v3 =	vsel vm14, $0x3F0F8F2A, v3;
	v8 =	vcombine.low v8, v6;
	v5 =	vsel vm13, $0x3F159462, v5  }
0x1b: {  	s12 =	smin.u32 s2, $0x17980;
	s7 =	sadd.s32 s9, s7;
	s9 =	sadd.s32 $0x600, s3;
	v4 =	vunpack.c.0.s8.s32 v4;
	v5 =	vsel vm14, $0x3F58A770, v5;
	v6 =	vand.u32 $0xF, v2  }
0x1c: {  	p1 =	sne.s32 s0, $0x1;
	p2 =	sne.s32 s0, $0x0;
	s17 =	smax.u32 s1, $0x1;
	v2 =	vsel vm15, $0x3ECF2608, v3;
	v3 =	vsel vm15, $0x3EF65998, v5;
	v5 =	vand.u32 $0xF, v7  }
0x1d: {  	s8 =	sadd.s32 $0x680, s7;
	s10 =	sadd.s32 $0x18700, s7;
	s11 =	sadd.s32 $0x18D80, s7;
	v7 =	vand.u32 $0xF, v8;
	v4 =	vcombine.low v6, v4;
	v6 =	vand.u32 $0xF, v9  }
.LBB2_1:
0x1e: {  	[tilespmem:s4], [sflag:$0x1] =	stream.linear.gather [hbm4b:s7+s4], $0x3400, $0x38;
	[tilespmem:$0xDA00] =	vst v63  }
0x1f: {  	s0 =	simm.s32 $0x6800  }
0x20: {  	[tilespmem:s0], [sflag:$0x1] =	stream.linear.gather [hbm4b:s10+s4], $0x3400, $0x38;
	[tilespmem:$0xDA00] =	vst v63  }
0x21: {  	s29 =	simm.s32 $0x3400  }
0x22: {  	[tilespmem:s29], [sflag:$0x2] =	stream.linear.gather [hbm4b:s8+s4], $0x3400, $0x38;
	[tilespmem:$0xDA00] =	vst v63  }
0x23: {  	s30 =	simm.s32 $0x9C00  }
0x24: {  	[tilespmem:s30], [sflag:$0x2] =	stream.linear.gather [hbm4b:s11+s4], $0x3400, $0x38;
	[tilespmem:$0xDA00] =	vst v63  }
0x25: {  	s31 =	rddreg [dreg:$0x0];
	s1 =	simm.s32 $0x400  }
0x26: {  	[tilespmem:s19], [sflag:$0x3] =	stream.strided.gather [hbm4b:s31+s1], $0x800, s18, s1, $0x38;
	[tilespmem:$0xDA00] =	vst v63  }
0x27: {  	_ =	swait.ge [sflag:s20], $0x800  }
0x28: {  	[sflag:s20] =	ssyncset.done $0x0  }
0x29: {  	[sflag:s20] =	ssyncadd.s32 $0xFFFFF800  }
0x2a: {  	v8 =	vld [tilespmem:$0xD000];
	_ =	sdelay $0x1  }
0x2b: {  	v9 =	vld [tilespmem:$0xD080];
	_ =	sdelay $0x1  }
0x2c: {  	v10 =	vld [tilespmem:$0xD100]  }
0x2d: {  	v11 =	vadd.f32 $0.0e+00, v8  }
0x2e: {  	v12 =	vld [tilespmem:$0xD180]  }
0x2f: {  	v11 =	vadd.f32 v9, v11  }
0x30: {  	v13 =	vld [tilespmem:$0xD200]  }
0x31: {  	v11 =	vadd.f32 v10, v11  }
0x32: {  	v14 =	vld [tilespmem:$0xD280]  }
0x33: {  	v11 =	vadd.f32 v12, v11  }
0x34: {  	v15 =	vld [tilespmem:$0xD300]  }
0x35: {  	v11 =	vadd.f32 v13, v11  }
0x36: {  	v16 =	vld [tilespmem:$0xD380]  }
0x37: {  	v11 =	vadd.f32 v14, v11  }
0x38: {  	v17 =	vld [tilespmem:$0xD400]  }
0x39: {  	v11 =	vadd.f32 v15, v11  }
0x3a: {  	v18 =	vld [tilespmem:$0xD480]  }
0x3b: {  	v11 =	vadd.f32 v16, v11  }
0x3c: {  	v19 =	vld [tilespmem:$0xD500]  }
0x3d: {  	v11 =	vadd.f32 v17, v11  }
0x3e: {  	v20 =	vld [tilespmem:$0xD580]  }
0x3f: {  	v11 =	vadd.f32 v18, v11  }
0x40: {  	v21 =	vld [tilespmem:$0xD600]  }
0x41: {  	v11 =	vadd.f32 v19, v11  }
0x42: {  	v22 =	vld [tilespmem:$0xD680]  }
0x43: {  	v8 =	vmul.f32 v9, v8;
	v9 =	vadd.f32 v20, v11  }
0x44: {  	v11 =	vld [tilespmem:$0xD700]  }
0x45: {  	v8 =	vmul.f32 v10, v8;
	v9 =	vadd.f32 v21, v9  }
0x46: {  	v10 =	vld [tilespmem:$0xD780]  }
0x47: {  	v8 =	vmul.f32 v12, v8;
	v9 =	vadd.f32 v22, v9;
	_ =	sdelay $0x1  }
0x48: {  	v8 =	vmul.f32 v13, v8;
	v9 =	vadd.f32 v11, v9;
	_ =	sdelay $0x1  }
0x49: {  	v8 =	vmul.f32 v14, v8;
	v9 =	vadd.f32 v10, v9;
	_ =	sdelay $0x1  }
0x4a: {  	v8 =	vmul.f32 v15, v8;
	v9 =	vadd.f32 $1.000000010e-10, v9;
	_ =	sdelay $0x1  }
0x4b: {  	v8 =	vmul.f32 v16, v8;
	(erf) = vrcp.f32 v9;
	_ =	sdelay $0x1  }
0x4c: {  	v8 =	vmul.f32 v17, v8;
	_ =	sdelay $0x1  }
0x4d: {  	v8 =	vmul.f32 v18, v8;
	_ =	sdelay $0x1  }
0x4e: {  	v8 =	vmul.f32 v19, v8;
	_ =	sdelay $0x1  }
0x4f: {  	v8 =	vmul.f32 v20, v8  }
0x50: {  	v9 =	vpop (erf)  }
0x51: {  	v8 =	vmul.f32 v21, v8;
	v9 =	vmul.f32 v9, v9;
	_ =	sdelay $0x1  }
0x52: {  	v8 =	vmul.f32 v22, v8;
	v9 =	vmul.f32 v9, v9;
	_ =	sdelay $0x1  }
0x53: {  	v8 =	vmul.f32 v11, v8;
	v9 =	vmul.f32 v9, v9;
	_ =	sdelay $0x1  }
0x54: {  	v8 =	vmul.f32 v10, v8;
	v9 =	vmul.f32 v9, v9;
	_ =	sdelay $0x1  }
0x55: {  	v8 =	vmul.f32 v9, v8;
	_ =	sdelay $0x1  }
0x56: {  	[tilespmem:$0xD800] =	vst v8;
	v8 =	vimm.f32 $1.000000000e+00  }
0x57: {  	p4 =	por $0x1, $0x1;
	s0 =	simm.s32 $0x0;
	[tilespmem:$0xD810] =	vst v8  }
.LBB2_2:
0x58: {  	s1 =	simm.s32 $0x1  }
0x59: {  	s25 =	sshll.u32 s0, $0x3;
	s26 =	simm.s32 $0x0;
	s1 =	simm.s32 @!p4 $0x2  }
0x5a: {  	s24 =	simm.s32 $0x10;
	s3 =	sadd.s32 $0x80, s25;
	_ =	swait.ge [sflag:s1], $0x6800  }
0x5b: {  	s13 =	sand.u32 $0x70, s24;
	s28 =	sand.u32 $0x7C00, s3;
	[sflag:s1] =	ssyncset.done $0x0  }
0x5c: {  	s2 =	sadd.s32 $0xFFFFFF80, s3;
	s28 =	sor.u32 s13, s28;
	[sflag:s1] =	ssyncadd.s32 $0xFFFF9800  }
0x5d: {  	s2 =	sand.u32 $0x7C00, s2;
	s1 =	sand.u32 $0x60, s26;
	v9 =	vld [tilespmem:s28+$0x80]  }
0x5e: {  	s26 =	sor.u32 s1, s2;
	v16 =	vld [tilespmem:s28+$0x0]  }
0x5f: {  	v17 =	vld [tilespmem:s26+$0x0]  }
0x60: {  	v10 =	vld [tilespmem:s26+$0x80]  }
0x61: {  	v11 =	vld [tilespmem:s28+$0x100]  }
0x62: {  	v12 =	vld [tilespmem:s26+$0x100]  }
0x63: {  	v13 =	vld [tilespmem:s28+$0x180]  }
0x64: {  	v14 =	vld [tilespmem:s26+$0x180];
	v18 =	vadd.f32 v9, v16  }
0x65: {  	s14 =	simm.s32 $0x0;
	v20 =	vadd.f32 v10, v17;
	v10 =	vld [tilespmem:s28+$0x200]  }
0x66: {  	s15 =	sand.u32 $0x3, s14;
	v15 =	vld [tilespmem:s26+$0x200];
	v19 =	vadd.f32 v11, v18  }
0x67: {  	s16 =	sshll.u32 s15, $0x5;
	s1 =	sand.u32 $0x7, s14;
	v21 =	vld [tilespmem:s28+$0x280];
	v9 =	vadd.f32 v12, v20  }
0x68: {  	s24 =	sadd.s32 s16, s25;
	s2 =	sadd.s32 $0x90, s25;
	s1 =	sshll.u32 s1, $0x4;
	v22 =	vld [tilespmem:s26+$0x280];
	v23 =	vadd.f32 v13, v19  }
0x69: {  	s29 =	sor.u32 $0x300, s24;
	s1 =	sadd.s32 s1, s2;
	v13 =	vld [tilespmem:s28+$0x300];
	v12 =	vadd.f32 v14, v9  }
0x6a: {  	s1 =	sor.u32 $0x300, s1;
	v14 =	vld [tilespmem:s29+$0x0];
	v24 =	vadd.f32 v10, v23  }
0x6b: {  	s24 =	sor.u32 $0x380, s24;
	v25 =	vld [tilespmem:s1+$0x0];
	v11 =	vadd.f32 v15, v12  }
0x6c: {  	v26 =	vld [tilespmem:s24+$0x0];
	v21 =	vadd.f32 v21, v24  }
0x6d: {  	v10 =	vadd.f32 v22, v11;
	v22 =	vld [tilespmem:s28+$0x6800]  }
0x6e: {  	v27 =	vld [tilespmem:s26+$0x6800];
	v30 =	vadd.f32 v13, v21  }
0x6f: {  	v15 =	vadd.f32 v14, v10;
	v14 =	vld [tilespmem:s28+$0x6880]  }
0x70: {  	v28 =	vld [tilespmem:s26+$0x6880];
	s1 =	sshll.u32 s0, $0x1;
	v25 =	vadd.f32 v25, v30  }
0x71: {  	s24 =	sadd.s32 s1, s12;
	v13 =	vadd.f32 v26, v15;
	v26 =	vld [tilespmem:s28+$0x6900]  }
0x72: {  	v29 =	vld [tilespmem:s26+$0x6900];
	s0 =	sadd.s32 $0x10, s24;
	v31 =	vadd.f32 v22, v25  }
0x73: {  	v32 =	vld [tilespmem:s28+$0x6980];
	s13 =	sadd.s32 $0xFFFFFFF0, s0;
	v33 =	vor.u32 s0, v0;
	v27 =	vadd.f32 v27, v13  }
0x74: {  	v35 =	vld [tilespmem:s26+$0x6980];
	v34 =	vmov s13;
	v22 =	vmov s0;
	v42 =	vadd.f32 v14, v31  }
0x75: {  	v34 =	vshrl.u32 v34, $0x10;
	v22 =	vshrl.u32 v22, $0x10;
	v43 =	vadd.f32 v28, v27;
	v28 =	vld [tilespmem:s28+$0x6A00]  }
0x76: {  	v53 =	vld [tilespmem:s26+$0x6A00];
	v14 =	vor.u32 s13, v0;
	v22 =	vxor.u32 v22, v33;
	v36 =	vadd.f32 v26, v42  }
0x77: {  	v14 =	vxor.u32 v34, v14;
	v22 =	vmul.u32 $0x85EBCA6B, v22;
	v26 =	vld [tilespmem:s28+$0x6A80];
	v54 =	vadd.f32 v29, v43  }
0x78: {  	v14 =	vmul.u32 $0x85EBCA6B, v14;
	v29 =	vld [tilespmem:s26+$0x6A80];
	v39 =	vadd.f32 v32, v36  }
0x79: {  	v37 =	vld [tilespmem:s28+$0x6B00];
	v55 =	vshrl.u32 v22, $0xD;
	v35 =	vadd.f32 v35, v54  }
0x7a: {  	v56 =	vld [tilespmem:s26+$0x6B00];
	v38 =	vshrl.u32 v14, $0xD;
	v22 =	vxor.u32 v22, v55;
	v28 =	vadd.f32 v28, v39  }
0x7b: {  	v57 =	vld [tilespmem:s28+$0x6B80];
	v14 =	vxor.u32 v14, v38;
	v22 =	vmul.u32 $0xC2B2AE35, v22;
	v33 =	vadd.f32 v53, v35  }
0x7c: {  	v14 =	vmul.u32 $0xC2B2AE35, v14;
	v40 =	vadd.f32 v26, v28  }
0x7d: {  	v41 =	vld [tilespmem:s26+$0x6B80];
	v26 =	vshrl.u32 v22, $0x19;
	v22 =	vshrl.u32 v22, $0x9;
	v44 =	vadd.f32 v29, v33  }
0x7e: {  	v29 =	vshrl.u32 v14, $0x19;
	v22 =	vxor.u32 v22, v26;
	v26 =	vadd.f32 v37, v40  }
0x7f: {  	v14 =	vshrl.u32 v14, $0x9;
	v22 =	vor.u32 $0x3F800000, v22;
	v32 =	vadd.f32 v56, v44  }
0x80: {  	v14 =	vxor.u32 v14, v29;
	v22 =	vadd.f32 $-1.000000000e+00, v22;
	v29 =	vadd.f32 v57, v26  }
0x81: {  	v14 =	vor.u32 $0x3F800000, v14  }
0x82: {  	v14 =	vadd.f32 $-1.000000000e+00, v14;
	v58 =	vadd.f32 v41, v32;
	v45 =	vmul.f32 v29, v22;
	_ =	sdelay $0x1  }
0x83: {  	v14 =	vmul.f32 v58, v14;
	vm0 =	vlt.f32 v16, v45;
	vm1 =	vlt.f32 v18, v45  }
0x84: {  	v18 =	vsel vm0, $0x1, v1;
	v46 =	vsel vm1, $0x1, v1  }
0x85: {  	vm0 =	vlt.f32 v19, v45;
	vm1 =	vlt.f32 v23, v45;
	vm2 =	vlt.f32 v12, v14  }
0x86: {  	v23 =	vsel vm0, $0x1, v1;
	vm0 =	vlt.f32 v21, v45;
	v47 =	vsel vm1, $0x1, v1  }
0x87: {  	v18 =	vadd.s32 v46, v18;
	v16 =	vsel vm0, $0x1, v1;
	vm0 =	vlt.f32 v17, v14  }
0x88: {  	vm1 =	vlt.f32 v24, v45;
	v18 =	vadd.s32 v47, v18;
	v19 =	vsel vm0, $0x1, v1  }
0x89: {  	vm0 =	vlt.f32 v20, v14;
	v20 =	vsel vm1, $0x1, v1;
	vm1 =	vlt.f32 v29, v45  }
0x8a: {  	v22 =	vsel vm0, $0x1, v1;
	vm0 =	vlt.f32 v32, v14;
	v24 =	vsel vm1, $0x1, v1  }
0x8b: {  	vm1 =	vlt.f32 v33, v14;
	v17 =	vsel vm0, $0x1, v1;
	vm0 =	vlt.f32 v26, v45  }
0x8c: {  	v29 =	vsel vm1, $0x1, v1;
	v21 =	vsel vm0, $0x1, v1;
	vm0 =	vlt.f32 v58, v14  }
0x8d: {  	s14 =	simm.s32 $0x30;
	s29 =	sadd.s32 $0x100, s3;
	vm1 =	vlt.f32 v44, v14;
	v26 =	vsel vm0, $0x1, v1;
	vm0 =	vlt.f32 v28, v45  }
0x8e: {  	s15 =	sand.u32 $0x7C00, s29;
	s0 =	sand.u32 $0x70, s14;
	v38 =	vsel vm1, $0x1, v1;
	vm1 =	vlt.f32 v54, v14;
	v28 =	vsel vm0, $0x1, v1  }
0x8f: {  	s16 =	simm.s32 $0x20;
	s28 =	sadd.s32 $0xFFFFFF80, s29;
	s26 =	sor.u32 s0, s15;
	vm0 =	vlt.f32 v40, v45;
	v40 =	vsel vm1, $0x1, v1;
	vm1 =	vlt.f32 v39, v45  }
0x90: {  	s1 =	sand.u32 $0x60, s16;
	s3 =	sand.u32 $0x7C00, s28;
	v59 =	vld [tilespmem:s26+$0x80];
	v32 =	vsel vm0, $0x1, v1;
	vm0 =	vlt.f32 v36, v45;
	v41 =	vsel vm1, $0x1, v1  }
0x91: {  	s3 =	sor.u32 s1, s3;
	v39 =	vld [tilespmem:s26+$0x0];
	vm1 =	vlt.f32 v31, v45;
	v37 =	vsel vm0, $0x1, v1;
	vm0 =	vlt.f32 v35, v14  }
0x92: {  	v33 =	vld [tilespmem:s3+$0x0];
	v31 =	vsel vm1, $0x1, v1;
	vm1 =	vlt.f32 v30, v45;
	v36 =	vsel vm0, $0x1, v1  }
0x93: {  	vm0 =	vlt.f32 v25, v45;
	v46 =	vsel vm1, $0x1, v1;
	vm1 =	vlt.f32 v42, v45;
	v25 =	vld [tilespmem:s26+$0x100]  }
0x94: {  	v19 =	vadd.s32 v22, v19;
	v45 =	vsel vm1, $0x1, v1;
	vm1 =	vlt.f32 v27, v14;
	v27 =	vld [tilespmem:s3+$0x80]  }
0x95: {  	v35 =	vadd.s32 v23, v18;
	v47 =	vsel vm1, $0x1, v1;
	vm1 =	vlt.f32 v15, v14;
	v15 =	vld [tilespmem:s26+$0x180]  }
0x96: {  	s14 =	sadd.s32 $0x30, s24;
	v30 =	vld [tilespmem:s3+$0x100];
	v48 =	vsel vm0, $0x1, v1;
	vm0 =	vlt.f32 v43, v14;
	v43 =	vadd.f32 v59, v39  }
0x97: {  	v12 =	vld [tilespmem:s26+$0x200];
	v23 =	vor.u32 s14, v0;
	v16 =	vadd.s32 v16, v35;
	v49 =	vsel vm0, $0x1, v1  }
0x98: {  	s13 =	simm.s32 $0x2;
	v18 =	vld [tilespmem:s3+$0x180];
	vm0 =	vlt.f32 v11, v14;
	v34 =	vsel vm1, $0x1, v1;
	v44 =	vadd.f32 v25, v43  }
0x99: {  	s2 =	sadd.s32 $0x100, s2;
	s28 =	simm.s32 $0x1;
	s0 =	sand.u32 $0x7, s13;
	v11 =	vld [tilespmem:s26+$0x280];
	vm1 =	vlt.f32 v9, v14;
	v9 =	vmov s14;
	v42 =	vadd.f32 v27, v33  }
0x9a: {  	s30 =	sadd.s32 $0xFFFFFFF0, s14;
	s31 =	sand.u32 $0x3, s28;
	s0 =	sshll.u32 s0, $0x4;
	v50 =	vld [tilespmem:s3+$0x200];
	v16 =	vadd.s32 v20, v16;
	v52 =	vshrl.u32 v9, $0x10;
	v51 =	vadd.f32 v15, v44  }
0x9b: {  	s28 =	sadd.s32 $0x100, s25;
	s15 =	sshll.u32 s31, $0x5;
	s0 =	sadd.s32 s0, s2;
	v23 =	vxor.u32 v52, v23;
	v27 =	vmov s30;
	v9 =	vadd.f32 v30, v42;
	v30 =	vld [tilespmem:s26+$0x300]  }
0x9c: {  	v60 =	vld [tilespmem:s3+$0x280];
	s1 =	sadd.s32 s15, s28;
	s0 =	sor.u32 $0x300, s0;
	v15 =	vor.u32 s30, v0;
	v27 =	vshrl.u32 v27, $0x10;
	v53 =	vadd.f32 v12, v51  }
0x9d: {  	s16 =	sor.u32 $0x300, s1;
	v12 =	vxor.u32 v27, v15;
	v15 =	vmul.u32 $0x85EBCA6B, v23;
	v54 =	vadd.f32 v18, v9;
	v18 =	vld [tilespmem:s0+$0x0]  }
0x9e: {  	v23 =	vld [tilespmem:s16+$0x0];
	v27 =	vsel vm1, $0x1, v1;
	v12 =	vmul.u32 $0x85EBCA6B, v12;
	v55 =	vadd.f32 v11, v53  }
0x9f: {  	s25 =	sor.u32 $0x380, s1;
	vm1 =	vlt.f32 v10, v14;
	v11 =	vshrl.u32 v15, $0xD;
	v10 =	vadd.f32 v50, v54;
	v50 =	vld [tilespmem:s26+$0x6800]  }
0xa0: {  	v57 =	vld [tilespmem:s25+$0x0];
	v56 =	vshrl.u32 v12, $0xD;
	v15 =	vxor.u32 v15, v11;
	v11 =	vadd.f32 v30, v55  }
0xa1: {  	v52 =	vld [tilespmem:s26+$0x6880];
	v30 =	vxor.u32 v12, v56;
	v15 =	vmul.u32 $0xC2B2AE35, v15;
	v12 =	vadd.f32 v60, v10  }
0xa2: {  	v59 =	vsel vm1, $0x1, v1;
	v56 =	vld [tilespmem:s3+$0x6800];
	v30 =	vmul.u32 $0xC2B2AE35, v30;
	v58 =	vadd.f32 v18, v11  }
0xa3: {  	vm1 =	vlt.f32 v13, v14;
	v60 =	vld [tilespmem:s26+$0x6900];
	v14 =	vshrl.u32 v15, $0x19;
	v13 =	vadd.f32 v23, v12  }
0xa4: {  	v61 =	vld [tilespmem:s3+$0x6880];
	v15 =	vshrl.u32 v15, $0x9;
	v23 =	vshrl.u32 v30, $0x19;
	v18 =	vadd.f32 v50, v58  }
0xa5: {  	v30 =	vshrl.u32 v30, $0x9;
	v14 =	vxor.u32 v15, v14;
	v50 =	vld [tilespmem:s26+$0x6980];
	v15 =	vadd.f32 v57, v13  }
0xa6: {  	v25 =	vsel vm2, $0x1, v1;
	v30 =	vxor.u32 v30, v23;
	v57 =	vld [tilespmem:s3+$0x6900];
	v23 =	vadd.f32 v52, v18  }
0xa7: {  	v19 =	vadd.s32 v25, v19;
	v52 =	vor.u32 $0x3F800000, v14;
	v14 =	vadd.f32 v56, v15;
	v56 =	vld [tilespmem:s26+$0x6A00]  }
0xa8: {  	v63 =	vld [tilespmem:s3+$0x6980];
	v19 =	vadd.s32 v27, v19;
	v27 =	vsel vm0, $0x1, v1;
	v22 =	vadd.f32 v60, v23  }
0xa9: {  	v19 =	vadd.s32 v59, v19;
	v59 =	vld [tilespmem:s26+$0x6A80];
	v62 =	vor.u32 $0x3F800000, v30;
	v25 =	vadd.f32 v61, v14  }
0xaa: {  	v30 =	vadd.s32 v27, v19;
	v60 =	vld [tilespmem:s3+$0x6A00];
	v61 =	vsel vm1, $0x1, v1;
	v27 =	vadd.f32 v50, v22  }
0xab: {  	v16 =	vadd.s32 v48, v16;
	v30 =	vadd.s32 v61, v30;
	v50 =	vld [tilespmem:s26+$0x6B00];
	v19 =	vadd.f32 v57, v25  }
0xac: {  	v16 =	vadd.s32 v46, v16;
	v61 =	vld [tilespmem:s3+$0x6A80];
	v34 =	vadd.s32 v34, v30;
	v30 =	vadd.f32 v56, v27  }
0xad: {  	v48 =	vld [tilespmem:s26+$0x6B80];
	v16 =	vadd.s32 v45, v16;
	v35 =	vadd.f32 v63, v19  }
0xae: {  	v16 =	vadd.s32 v31, v16;
	v20 =	vadd.s32 v49, v34;
	v63 =	vld [tilespmem:s3+$0x6B00];
	v34 =	vadd.f32 v59, v30  }
0xaf: {  	v16 =	vadd.s32 v41, v16;
	v47 =	vadd.s32 v47, v20;
	v20 =	vadd.f32 v60, v35  }
0xb0: {  	v41 =	vadd.s32 v37, v16;
	v60 =	vld [tilespmem:s3+$0x6B80];
	v31 =	vadd.f32 v50, v34  }
0xb1: {  	v32 =	vadd.s32 v32, v41;
	v56 =	vadd.s32 v36, v47;
	v36 =	vadd.f32 v61, v20  }
0xb2: {  	v40 =	vadd.s32 v40, v56;
	v61 =	vadd.f32 $-1.000000000e+00, v52;
	v37 =	vadd.f32 v48, v31  }
0xb3: {  	v28 =	vadd.s32 v28, v32;
	v38 =	vadd.s32 v38, v40;
	v16 =	vadd.f32 v63, v36  }
0xb4: {  	v24 =	vadd.s32 v24, v28;
	v29 =	vadd.s32 v29, v38;
	v32 =	vmul.f32 v37, v61  }
0xb5: {  	v59 =	vadd.f32 $-1.000000000e+00, v62;
	v26 =	vadd.s32 v26, v29;
	v40 =	vadd.f32 v60, v16  }
0xb6: {  	v21 =	vadd.s32 v21, v24;
	v26 =	vadd.s32 v17, v26;
	vm0 =	vlt.f32 v39, v32  }
0xb7: {  	vm1 =	vlt.f32 v43, v32;
	vm8 =	vlt.f32 v58, v32;
	v24 =	vmul.f32 v40, v59  }
0xb8: {  	v28 =	vsel vm0, $0x1, v1;
	v29 =	vsel vm1, $0x1, v1;
	vm0 =	vlt.f32 v44, v32  }
0xb9: {  	vm1 =	vlt.f32 v55, v32;
	v62 =	vsel vm0, $0x1, v1;
	vm0 =	vlt.f32 v51, v32  }
0xba: {  	v17 =	vsel vm1, $0x1, v1;
	v63 =	vsel vm0, $0x1, v1;
	vm0 =	vlt.f32 v33, v24  }
0xbb: {  	p3 =	por p4, p4;
	v29 =	vadd.s32 v29, v28;
	v28 =	vsel vm0, $0x1, v1;
	vm0 =	vlt.f32 v53, v32  }
0xbc: {  	s29 =	sadd.s32 $0x100, s29;
	s31 =	simm.s32 $0x50;
	s25 =	sadd.s32 $0x100, s2;
	v39 =	vld.idx.msk [tilespmem:v21+s21+$0x0], $0xffff;
	v41 =	vadd.s32 v63, v29;
	v21 =	vsel vm0, $0x1, v1;
	vm0 =	vlt.f32 v42, v24  }
0xbd: {  	s30 =	simm.s32 $0x2;
	s26 =	sadd.s32 $0x100, s28;
	s28 =	simm.s32 $0x4;
	vm1 =	vlt.f32 v54, v24;
	v29 =	vld.idx.msk [tilespmem:v26+s21+$0x0], $0xffff;
	v26 =	vadd.s32 v62, v41;
	v33 =	vsel vm0, $0x1, v1  }
.LBB2_3:
0xbe: {  	vm0 =	vlt.f32 v9, v24;
	v9 =	vimm.s32 $0x0  }
0xbf: {  	v9 =	vsel vm0, $0xFFFFFFFF, v9  }
0xc0: {  	s0 =	sand.u32 $0x3, s30;
	vm0 =	vlt.f32 v10, v24;
	[tilespmem:$0x1FFC0] =	vst v9;
	v9 =	vimm.s32 $0x0  }
0xc1: {  	s1 =	sadd.s32 $0xFFFFFFF0, s31;
	s3 =	smov.u32 s31;
	vm9 =	vlt.f32 v11, v32;
	s0 =	sshll.u32 s0, $0x5;
	v9 =	vsel vm0, $0xFFFFFFFF, v9  }
0xc2: {  	s2 =	sadd.s32 $0xFFFFFF80, s29;
	vm12 =	vlt.f32 v18, v32;
	s15 =	sadd.s32 s0, s26;
	s0 =	sadd.s32 s3, s24;
	vm0 =	vlt.f32 v12, v24;
	[tilespmem:$0x1FFE0] =	vst v9;
	v9 =	vimm.s32 $0x0  }
0xc3: {  	vm13 =	vlt.f32 v19, v24;
	s1 =	sand.u32 $0x60, s1;
	s2 =	sand.u32 $0x7C00, s2;
	v11 =	vmov s0;
	v9 =	vsel vm0, $0xFFFFFFFF, v9  }
0xc4: {  	s2 =	sor.u32 s1, s2;
	v12 =	vor.u32 s0, v0;
	vm0 =	vlt.f32 v13, v24;
	[tilespmem:$0x1FFD0] =	vst v9;
	v9 =	vimm.s32 $0x0  }
0xc5: {  	s13 =	sand.u32 $0x7C00, s29;
	s3 =	sand.u32 $0x70, s3;
	s16 =	sadd.s32 $0xFFFFFFF0, s0;
	v18 =	vld [tilespmem:s2+$0x80];
	v10 =	vmul.f32 v39, v29;
	v11 =	vshrl.u32 v11, $0x10;
	v9 =	vsel vm0, $0xFFFFFFFF, v9  }
0xc6: {  	s3 =	sor.u32 s3, s13;
	v29 =	vld [tilespmem:s2+$0x0];
	v13 =	vmov s16;
	vm0 =	vlt.f32 v15, v24;
	[tilespmem:$0x1FFA0] =	vst v9;
	v9 =	vimm.s32 $0x0  }
0xc7: {  	v39 =	vld [tilespmem:s3+$0x0];
	v11 =	vxor.u32 v11, v12;
	v13 =	vshrl.u32 v13, $0x10;
	v9 =	vsel vm0, $0xFFFFFFFF, v9  }
0xc8: {  	v12 =	vld [tilespmem:s3+$0x80];
	v11 =	vmul.u32 $0x85EBCA6B, v11;
	vm0 =	vlt.f32 v25, v24;
	[tilespmem:$0x1FFF0] =	vst v9;
	v9 =	vimm.s32 $0x0  }
0xc9: {  	v9 =	vsel vm0, $0xFFFFFFFF, v9;
	vm0 =	vlt.f32 v14, v24;
	v14 =	vor.u32 s16, v0  }
0xca: {  	v8 =	vmul.f32 v10, v8;
	v10 =	vxor.u32 v13, v14;
	v13 =	vshrl.u32 v11, $0xD;
	v14 =	vld [tilespmem:s3+$0x100]  }
0xcb: {  	[tilespmem:$0x1FFB0] =	vst v9;
	v9 =	vimm.s32 $0x0;
	v10 =	vmul.u32 $0x85EBCA6B, v10;
	v11 =	vxor.u32 v11, v13  }
0xcc: {  	v38 =	vadd.f32 v18, v29;
	v18 =	vld [tilespmem:s3+$0x180];
	v9 =	vsel vm0, $0xFFFFFFFF, v9;
	v11 =	vmul.u32 $0xC2B2AE35, v11  }
0xcd: {  	v42 =	vadd.f32 v12, v39;
	vm0 =	vlt.f32 v22, v32;
	[tilespmem:$0x1FF90] =	vst v9;
	v9 =	vld [tilespmem:s2+$0x100];
	v19 =	vshrl.u32 v10, $0xD  }
0xce: {  	v22 =	vld [tilespmem:s3+$0x200];
	v10 =	vxor.u32 v10, v19;
	v19 =	vshrl.u32 v11, $0x19;
	v11 =	vshrl.u32 v11, $0x9  }
0xcf: {  	v15 =	vld [tilespmem:s2+$0x180];
	v11 =	vxor.u32 v11, v19;
	v43 =	vadd.f32 v14, v42  }
0xd0: {  	s14 =	sand.u32 $0x7, s28;
	vm6 =	vlt.f32 v37, v32;
	v37 =	vor.u32 $0x3F800000, v11;
	v11 =	vld [tilespmem:s3+$0x280]  }
0xd1: {  	s14 =	sshll.u32 s14, $0x4;
	v44 =	vadd.f32 v18, v43  }
0xd2: {  	vm7 =	vlt.f32 v16, v24;
	s14 =	sadd.s32 s14, s25;
	v16 =	vld [tilespmem:s3+$0x300];
	v9 =	vadd.f32 v9, v38  }
0xd3: {  	vm2 =	vlt.f32 v20, v24;
	s14 =	sor.u32 $0x300, s14;
	v20 =	vld [tilespmem:s2+$0x200];
	v45 =	vadd.f32 v22, v44  }
0xd4: {  	v10 =	vmul.u32 $0xC2B2AE35, v10;
	v41 =	vadd.f32 v15, v9;
	v15 =	vld [tilespmem:s14+$0x0]  }
0xd5: {  	v13 =	vld [tilespmem:s2+$0x280];
	v50 =	vadd.f32 v11, v45  }
0xd6: {  	s16 =	sor.u32 $0x380, s15;
	s15 =	sor.u32 $0x300, s15;
	v12 =	vshrl.u32 v10, $0x19;
	v10 =	vshrl.u32 v10, $0x9  }
0xd7: {  	vm11 =	vlt.f32 v23, v32;
	v23 =	vld [tilespmem:s15+$0x0];
	v10 =	vxor.u32 v10, v12;
	v11 =	vadd.f32 v16, v50  }
0xd8: {  	vm3 =	vlt.f32 v34, v32;
	v14 =	vld [tilespmem:s16+$0x0];
	v34 =	vor.u32 $0x3F800000, v10;
	v10 =	vadd.f32 v20, v41  }
0xd9: {  	v56 =	vadd.f32 v15, v11;
	v15 =	vld [tilespmem:$0x1FF90]  }
0xda: {  	v12 =	vadd.f32 v13, v10;
	_ =	sdelay $0x1  }
0xdb: {  	v13 =	vadd.f32 v23, v12;
	_ =	sdelay $0x1  }
0xdc: {  	v52 =	vsel vm0, $0x1, v1;
	vm0 =	vnez.u8 v15;
	v15 =	vadd.f32 v14, v13;
	v14 =	vld [tilespmem:$0x1FFA0];
	_ =	sdelay $0x3  }
0xdd: {  	v19 =	vld [tilespmem:s2+$0x6800]  }
0xde: {  	v57 =	vsel vm0, $0x1, v1;
	vm0 =	vnez.u8 v14;
	v14 =	vld [tilespmem:$0x1FFB0];
	_ =	sdelay $0x3  }
0xdf: {  	vm10 =	vlt.f32 v35, v24;
	v18 =	vld [tilespmem:s3+$0x6800]  }
0xe0: {  	v35 =	vsel vm0, $0x1, v1;
	vm0 =	vnez.u8 v14;
	v14 =	vadd.f32 v19, v15;
	v19 =	vld [tilespmem:$0x1FFC0]  }
0xe1: {  	v20 =	vld [tilespmem:s3+$0x6880]  }
0xe2: {  	v22 =	vld [tilespmem:s2+$0x6880];
	_ =	sdelay $0x1  }
0xe3: {  	vm14 =	vlt.f32 v27, v32;
	v25 =	vadd.s32 v33, v28;
	v18 =	vadd.f32 v18, v56  }
0xe4: {  	v27 =	vld [tilespmem:s3+$0x6900];
	v23 =	vsel vm1, $0x1, v1;
	v58 =	vsel vm0, $0x1, v1;
	vm0 =	vnez.u8 v19  }
0xe5: {  	v25 =	vadd.s32 v23, v25;
	v23 =	vadd.f32 v20, v18;
	v20 =	vld [tilespmem:$0x1FFD0];
	v19 =	vsel vm0, $0x1, v1  }
0xe6: {  	v19 =	vadd.s32 v19, v25;
	v25 =	vadd.f32 v22, v14;
	v22 =	vld [tilespmem:$0x1FFE0];
	_ =	sdelay $0x1  }
0xe7: {  	vm15 =	vlt.f32 v36, v24;
	vm4 =	vlt.f32 v30, v32  }
0xe8: {  	vm5 =	vlt.f32 v40, v24;
	v30 =	vsel vm8, $0x1, v1;
	v17 =	vadd.s32 v17, v26  }
0xe9: {  	v47 =	vsel vm5, $0x1, v1;
	v17 =	vadd.s32 v21, v17;
	vm0 =	vnez.u8 v20  }
0xea: {  	v20 =	vsel vm0, $0x1, v1;
	vm0 =	vnez.u8 v22;
	v22 =	vadd.f32 v27, v23;
	v27 =	vld [tilespmem:$0x1FFF0]  }
0xeb: {  	v40 =	vsel vm4, $0x1, v1;
	v54 =	vsel vm9, $0x1, v1;
	v17 =	vadd.s32 v30, v17;
	v59 =	vld [tilespmem:s2+$0x6900]  }
0xec: {  	v48 =	vsel vm2, $0x1, v1;
	v55 =	vsel vm11, $0x1, v1;
	v17 =	vadd.s32 v54, v17;
	v28 =	vld [tilespmem:s3+$0x6980]  }
0xed: {  	v49 =	vsel vm3, $0x1, v1;
	v36 =	vsel vm12, $0x1, v1;
	v17 =	vadd.s32 v55, v17;
	v33 =	vld [tilespmem:s2+$0x6980]  }
0xee: {  	v51 =	vsel vm15, $0x1, v1;
	v53 =	vsel vm14, $0x1, v1;
	v60 =	vld [tilespmem:s3+$0x6A00];
	v17 =	vadd.s32 v36, v17  }
0xef: {  	v19 =	vadd.s32 v20, v19;
	v20 =	vld [tilespmem:s2+$0x6A00];
	v61 =	vsel vm0, $0x1, v1;
	vm0 =	vnez.u8 v27  }
0xf0: {  	v61 =	vadd.s32 v61, v19;
	v19 =	vadd.f32 v59, v25;
	v59 =	vld [tilespmem:s3+$0x6A80];
	v27 =	vsel vm0, $0x1, v1  }
0xf1: {  	v26 =	vld [tilespmem:s2+$0x6A80];
	v17 =	vadd.s32 v53, v17;
	v61 =	vadd.s32 v27, v61;
	v27 =	vadd.f32 v28, v22  }
0xf2: {  	v21 =	vld [tilespmem:s3+$0x6B00];
	v24 =	vsel vm7, $0x1, v1;
	v28 =	vadd.s32 v35, v61;
	v35 =	vadd.f32 v33, v19  }
0xf3: {  	vm7 =	vlt.f32 v31, v32;
	v28 =	vadd.s32 v58, v28;
	v58 =	vld [tilespmem:s2+$0x6B00];
	v30 =	vadd.f32 v60, v27  }
0xf4: {  	v16 =	vsel vm10, $0x1, v1;
	v60 =	vld [tilespmem:s3+$0x6B80];
	v28 =	vadd.s32 v57, v28;
	v20 =	vadd.f32 v20, v35  }
0xf5: {  	v61 =	vld [tilespmem:s2+$0x6B80];
	v16 =	vadd.s32 v16, v28;
	v28 =	vadd.f32 $-1.000000000e+00, v34;
	v34 =	vadd.f32 v59, v30  }
0xf6: {  	v31 =	vsel vm13, $0x1, v1;
	v46 =	vsel vm7, $0x1, v1;
	v36 =	vadd.f32 v26, v20  }
0xf7: {  	v32 =	vsel vm6, $0x1, v1;
	v16 =	vadd.s32 v31, v16;
	v31 =	vadd.f32 v21, v34  }
0xf8: {  	v17 =	vadd.s32 v52, v17;
	v21 =	vadd.s32 v51, v16;
	v16 =	vadd.f32 v58, v36  }
0xf9: {  	v17 =	vadd.s32 v49, v17;
	v26 =	vadd.f32 $-1.000000000e+00, v37;
	v37 =	vadd.f32 v60, v31  }
0xfa: {  	v17 =	vadd.s32 v40, v17;
	v21 =	vadd.s32 v48, v21;
	v40 =	vadd.f32 v61, v16  }
0xfb: {  	v17 =	vadd.s32 v32, v17;
	v21 =	vadd.s32 v47, v21;
	v32 =	vmul.f32 v37, v26  }
0xfc: {  	v21 =	vadd.s32 v24, v21;
	v26 =	vadd.s32 v46, v17;
	v24 =	vmul.f32 v40, v28  }
0xfd: {  	vm0 =	vlt.f32 v39, v32;
	vm1 =	vlt.f32 v42, v32;
	vm8 =	vlt.f32 v56, v32  }
0xfe: {  	p4 =	sne.s32 s31, $0x670;
	vm2 =	vlt.f32 v50, v32;
	v17 =	vsel vm0, $0x1, v1;
	v28 =	vsel vm1, $0x1, v1  }
.Ltmp0:
0xff: {  	vm0 =	vlt.f32 v43, v32;
	vm1 =	vlt.f32 v44, v32;
	vm3 =	vlt.f32 v38, v24;
	(pc) =	sbr.rel @p4 .LBB2_3-.Ltmp0, $4  }
0x100: {  	v62 =	vadd.s32 v28, v17;
	v63 =	vsel vm0, $0x1, v1;
	vm0 =	vlt.f32 v45, v32  }
0x101: {  	s28 =	sadd.s32 $0x2, s28;
	v17 =	vsel vm2, $0x1, v1;
	vm2 =	vlt.f32 v29, v24;
	v39 =	vld.idx.msk [tilespmem:v26+s21+$0x0], $0xffff;
	v26 =	vsel vm1, $0x1, v1  }
0x102: {  	s29 =	sadd.s32 $0x100, s29;
	s30 =	sadd.s32 $0x1, s30;
	s1 =	sadd.s32 $0x20, s31;
	v33 =	vsel vm3, $0x1, v1;
	v28 =	vsel vm2, $0x1, v1;
	v26 =	vadd.s32 v26, v62  }
0x103: {  	s25 =	sadd.s32 $0x100, s25;
	s26 =	sadd.s32 $0x100, s26;
	s31 =	smov.u32 s1;
	v29 =	vld.idx.msk [tilespmem:v21+s21+$0x0], $0xffff;
	v21 =	vsel vm0, $0x1, v1;
	vm1 =	vlt.f32 v41, v24;
	v26 =	vadd.s32 v63, v26  }
0x104: {  	vm0 =	vlt.f32 v31, v32;
	vm2 =	vlt.f32 v37, v32;
	vm7 =	vlt.f32 v30, v32  }
0x105: {  	vm9 =	vlt.f32 v40, v24;
	vm10 =	vlt.f32 v34, v32;
	vm11 =	vlt.f32 v36, v24  }
0x106: {  	vm12 =	vlt.f32 v22, v32;
	vm13 =	vlt.f32 v27, v32;
	vm14 =	vlt.f32 v35, v24  }
0x107: {  	vm15 =	vlt.f32 v18, v32;
	vm4 =	vlt.f32 v11, v32;
	vm5 =	vlt.f32 v13, v24  }
0x108: {  	vm6 =	vlt.f32 v23, v32;
	v58 =	vsel vm8, $0x1, v1;
	vm8 =	vlt.f32 v10, v24  }
0x109: {  	v59 =	vadd.s32 v33, v28;
	v31 =	vsel vm0, $0x1, v1;
	v49 =	vsel vm2, $0x1, v1  }
0x10a: {  	v50 =	vsel vm9, $0x1, v1;
	v51 =	vsel vm7, $0x1, v1;
	v52 =	vsel vm10, $0x1, v1  }
0x10b: {  	v53 =	vsel vm11, $0x1, v1;
	v54 =	vsel vm12, $0x1, v1;
	v55 =	vsel vm13, $0x1, v1  }
0x10c: {  	v56 =	vsel vm14, $0x1, v1;
	v11 =	vsel vm15, $0x1, v1;
	v57 =	vsel vm4, $0x1, v1  }
0x10d: {  	v23 =	vsel vm6, $0x1, v1;
	v38 =	vsel vm5, $0x1, v1;
	vm7 =	vlt.f32 v9, v24  }
0x10e: {  	v9 =	vsel vm1, $0x1, v1;
	vm9 =	vlt.f32 v12, v24;
	v61 =	vsel vm8, $0x1, v1  }
0x10f: {  	vm10 =	vlt.f32 v15, v24;
	v10 =	vsel vm7, $0x1, v1;
	v9 =	vadd.s32 v9, v59  }
0x110: {  	v60 =	vsel vm9, $0x1, v1;
	v9 =	vadd.s32 v10, v9;
	v10 =	vadd.s32 v17, v26  }
0x111: {  	vm11 =	vlt.f32 v25, v24;
	v9 =	vadd.s32 v60, v9;
	v10 =	vadd.s32 v21, v10  }
0x112: {  	v15 =	vsel vm10, $0x1, v1;
	v9 =	vadd.s32 v61, v9;
	v10 =	vadd.s32 v58, v10  }
0x113: {  	vm12 =	vlt.f32 v14, v24;
	v9 =	vadd.s32 v15, v9;
	v10 =	vadd.s32 v57, v10  }
0x114: {  	v62 =	vsel vm11, $0x1, v1;
	v9 =	vadd.s32 v38, v9;
	v10 =	vadd.s32 v23, v10  }
0x115: {  	v63 =	vsel vm12, $0x1, v1;
	v9 =	vadd.s32 v62, v9;
	v10 =	vadd.s32 v11, v10  }
0x116: {  	vm13 =	vlt.f32 v19, v24;
	v9 =	vadd.s32 v63, v9;
	v10 =	vadd.s32 v55, v10  }
0x117: {  	v11 =	vsel vm13, $0x1, v1;
	v9 =	vadd.s32 v56, v9;
	v10 =	vadd.s32 v54, v10  }
0x118: {  	vm14 =	vlt.f32 v20, v24;
	v9 =	vadd.s32 v11, v9;
	v10 =	vadd.s32 v52, v10  }
0x119: {  	v11 =	vsel vm14, $0x1, v1;
	v9 =	vadd.s32 v53, v9;
	v10 =	vadd.s32 v51, v10  }
0x11a: {  	vm15 =	vlt.f32 v16, v24;
	v9 =	vadd.s32 v11, v9;
	v10 =	vadd.s32 v49, v10  }
0x11b: {  	v11 =	vsel vm15, $0x1, v1;
	v9 =	vadd.s32 v50, v9;
	v10 =	vadd.s32 v31, v10  }
0x11c: {  	v9 =	vadd.s32 v11, v9;
	_ =	sdelay $0x3  }
0x11d: {  	v10 =	vld.idx.msk [tilespmem:v10+s21+$0x0], $0xffff  }
0x11e: {  	v9 =	vld.idx.msk [tilespmem:v9+s21+$0x0], $0xffff;
	_ =	sdelay $0x2  }
.Ltmp1:
0x11f: {  	v11 =	vmul.f32 v39, v29;
	(pc) =	sbr.rel @p3 .LBB2_2-.Ltmp1, $3  }
0x120: {  	_ = 	snop  }
0x121: {  	v8 =	vmul.f32 v11, v8;
	v9 =	vmul.f32 v10, v9;
	_ =	sdelay $0x1  }
0x122: {  	s0 =	simm.s32 $0x680;
	p4 =	por $0x0, $0x0;
	v8 =	vmul.f32 v9, v8  }
0x123: {  	s0 =	simm.s32 @!p1 $0x0;
	s1 =	simm.s32 @!p1 $0xD000  }
0x124: {  	[tilespmem:s1], [sflag:$0x3] =	stream.linear.gather @!p1 [hbm4b:s5+s0], $0x800, $0x38;
	[tilespmem:$0xDA00] =	vst v63  }
0x125: {  	s0 =	simm.s32 @!p1 $0x3  }
0x126: {  	_ =	swait.ge @!p1 [sflag:s0], $0x800  }
0x127: {  	[sflag:s0] =	ssyncset.done @!p1 $0x0  }
0x128: {  	[sflag:s0] =	ssyncadd.s32 @!p1 $0xFFFFF800  }
0x129: {  	v9 =	vld [tilespmem:$0xD060]  }
0x12a: {  	v10 =	vld [tilespmem:$0xD0E0];
	_ =	sdelay $0x1  }
0x12b: {  	v11 =	vld [tilespmem:$0xD160];
	_ =	sdelay $0x1  }
0x12c: {  	v12 =	vld [tilespmem:$0xD1E0]  }
0x12d: {  	v10 =	vadd.f32 v10, v9  }
0x12e: {  	v13 =	vld [tilespmem:$0xD260]  }
0x12f: {  	v11 =	vadd.f32 v11, v10  }
0x130: {  	v14 =	vld [tilespmem:$0xD2E0]  }
0x131: {  	v12 =	vadd.f32 v12, v11  }
0x132: {  	v15 =	vld [tilespmem:$0xD360]  }
0x133: {  	v13 =	vadd.f32 v13, v12  }
0x134: {  	v16 =	vld [tilespmem:$0xD3E0]  }
0x135: {  	v14 =	vadd.f32 v14, v13  }
0x136: {  	v17 =	vld [tilespmem:$0xD460]  }
0x137: {  	v18 =	vld [tilespmem:$0xD4E0];
	v15 =	vadd.f32 v15, v14  }
0x138: {  	v19 =	vld [tilespmem:$0xD560]  }
0x139: {  	v20 =	vld [tilespmem:$0xD070];
	v16 =	vadd.f32 v16, v15  }
0x13a: {  	v21 =	vld [tilespmem:$0xD0F0]  }
0x13b: {  	v22 =	vld [tilespmem:$0xD5E0];
	v17 =	vadd.f32 v17, v16  }
0x13c: {  	v23 =	vld [tilespmem:$0xD170]  }
0x13d: {  	v24 =	vld [tilespmem:$0xD660];
	v18 =	vadd.f32 v18, v17  }
0x13e: {  	v25 =	vld [tilespmem:$0xD1F0]  }
0x13f: {  	v26 =	vld [tilespmem:$0xD6E0];
	v21 =	vadd.f32 v21, v20;
	v19 =	vadd.f32 v19, v18  }
0x140: {  	v27 =	vld [tilespmem:$0xD270]  }
0x141: {  	v28 =	vld [tilespmem:$0xD760];
	v23 =	vadd.f32 v23, v21;
	v22 =	vadd.f32 v22, v19  }
0x142: {  	v29 =	vld [tilespmem:$0xD2F0]  }
0x143: {  	v30 =	vld [tilespmem:$0xD7E0];
	v25 =	vadd.f32 v25, v23;
	v24 =	vadd.f32 v24, v22  }
0x144: {  	v31 =	vld [tilespmem:$0xD370]  }
0x145: {  	v27 =	vadd.f32 v27, v25;
	v26 =	vadd.f32 v26, v24  }
0x146: {  	v32 =	vld [tilespmem:$0xD3F0]  }
0x147: {  	v29 =	vadd.f32 v29, v27;
	v28 =	vadd.f32 v28, v26  }
0x148: {  	v33 =	vld [tilespmem:$0xD470]  }
0x149: {  	v31 =	vadd.f32 v31, v29;
	v30 =	vadd.f32 v30, v28  }
0x14a: {  	v34 =	vld [tilespmem:$0xD4F0]  }
0x14b: {  	v32 =	vadd.f32 v32, v31;
	v35 =	vmul.f32 v2, v30  }
0x14c: {  	v36 =	vld [tilespmem:$0xD570]  }
0x14d: {  	vm0 =	vlt.f32 v9, v35;
	vm1 =	vlt.f32 v10, v35;
	v9 =	vadd.f32 v33, v32  }
0x14e: {  	v52 =	vld [tilespmem:$0xD5F0];
	vm10 =	vlt.f32 v12, v35;
	vm11 =	vlt.f32 v11, v35;
	vm12 =	vlt.f32 v14, v35  }
0x14f: {  	vm13 =	vlt.f32 v13, v35;
	vm14 =	vlt.f32 v16, v35;
	v34 =	vadd.f32 v34, v9  }
0x150: {  	v54 =	vld [tilespmem:$0xD670];
	vm15 =	vlt.f32 v15, v35;
	vm4 =	vlt.f32 v18, v35;
	vm5 =	vlt.f32 v17, v35  }
0x151: {  	v50 =	vsel vm0, $0x1, v1;
	v51 =	vsel vm1, $0x1, v1;
	v56 =	vadd.f32 v36, v34  }
0x152: {  	v58 =	vld [tilespmem:$0xD6F0];
	vm6 =	vlt.f32 v19, v35;
	v53 =	vsel vm10, $0x1, v1;
	v10 =	vadd.s32 v51, v50  }
0x153: {  	v55 =	vsel vm11, $0x1, v1;
	v10 =	vadd.s32 v53, v10;
	v12 =	vadd.f32 v52, v56  }
0x154: {  	v60 =	vld [tilespmem:$0xD770];
	vm7 =	vlt.f32 v22, v35;
	v57 =	vsel vm12, $0x1, v1;
	v10 =	vadd.s32 v55, v10  }
0x155: {  	v59 =	vsel vm13, $0x1, v1;
	v10 =	vadd.s32 v57, v10;
	v11 =	vadd.f32 v54, v12  }
0x156: {  	v63 =	vld [tilespmem:$0xD7F0];
	vm8 =	vlt.f32 v24, v35;
	v61 =	vsel vm14, $0x1, v1;
	v10 =	vadd.s32 v59, v10  }
0x157: {  	v62 =	vsel vm15, $0x1, v1;
	v10 =	vadd.s32 v61, v10;
	v14 =	vadd.f32 v58, v11  }
0x158: {  	vm9 =	vlt.f32 v26, v35;
	v36 =	vsel vm4, $0x1, v1;
	v10 =	vadd.s32 v62, v10  }
0x159: {  	v37 =	vsel vm5, $0x1, v1;
	v10 =	vadd.s32 v36, v10;
	v13 =	vadd.f32 v60, v14  }
0x15a: {  	v38 =	vsel vm6, $0x1, v1;
	v39 =	vsel vm7, $0x1, v1;
	v10 =	vadd.s32 v37, v10  }
0x15b: {  	v40 =	vsel vm8, $0x1, v1;
	v10 =	vadd.s32 v39, v10;
	v15 =	vadd.f32 v63, v13  }
0x15c: {  	v41 =	vsel vm9, $0x1, v1;
	vm10 =	vlt.f32 v28, v35;
	v10 =	vadd.s32 v38, v10  }
0x15d: {  	vm11 =	vlt.f32 v30, v35;
	v10 =	vadd.s32 v41, v10;
	v42 =	vmul.f32 v3, v15  }
0x15e: {  	v43 =	vsel vm10, $0x1, v1;
	v44 =	vsel vm11, $0x1, v1;
	v10 =	vadd.s32 v40, v10  }
0x15f: {  	v10 =	vadd.s32 v44, v10;
	vm12 =	vlt.f32 v20, v42;
	vm13 =	vlt.f32 v21, v42  }
0x160: {  	vm14 =	vlt.f32 v25, v42;
	v45 =	vsel vm12, $0x1, v1;
	v46 =	vsel vm13, $0x1, v1  }
0x161: {  	vm15 =	vlt.f32 v23, v42;
	v47 =	vsel vm14, $0x1, v1;
	v16 =	vadd.s32 v46, v45  }
0x162: {  	vm4 =	vlt.f32 v29, v42;
	v48 =	vsel vm15, $0x1, v1;
	v16 =	vadd.s32 v47, v16  }
0x163: {  	vm5 =	vlt.f32 v27, v42;
	v49 =	vsel vm4, $0x1, v1;
	v16 =	vadd.s32 v48, v16  }
0x164: {  	vm6 =	vlt.f32 v32, v42;
	v50 =	vsel vm5, $0x1, v1;
	v16 =	vadd.s32 v49, v16  }
0x165: {  	vm7 =	vlt.f32 v31, v42;
	v51 =	vsel vm6, $0x1, v1;
	v16 =	vadd.s32 v50, v16  }
0x166: {  	vm8 =	vlt.f32 v34, v42;
	v52 =	vsel vm7, $0x1, v1;
	v16 =	vadd.s32 v51, v16  }
0x167: {  	vm9 =	vlt.f32 v9, v42;
	v53 =	vsel vm8, $0x1, v1;
	v54 =	vadd.s32 v52, v16  }
0x168: {  	vm10 =	vlt.f32 v12, v42;
	v55 =	vsel vm9, $0x1, v1;
	v9 =	vadd.s32 v53, v54  }
0x169: {  	vm11 =	vlt.f32 v56, v42;
	v12 =	vsel vm10, $0x1, v1;
	v9 =	vadd.s32 v55, v9  }
0x16a: {  	v56 =	vsel vm11, $0x1, v1;
	vm12 =	vlt.f32 v14, v42;
	v9 =	vadd.s32 v12, v9  }
0x16b: {  	vm13 =	vlt.f32 v11, v42;
	v57 =	vsel vm12, $0x1, v1;
	v9 =	vadd.s32 v56, v9  }
0x16c: {  	vm14 =	vlt.f32 v15, v42;
	v11 =	vsel vm13, $0x1, v1;
	v9 =	vadd.s32 v57, v9  }
0x16d: {  	vm15 =	vlt.f32 v13, v42;
	v58 =	vsel vm14, $0x1, v1;
	v9 =	vadd.s32 v11, v9  }
0x16e: {  	v10 =	vadd.s32 v43, v10;
	v59 =	vsel vm15, $0x1, v1;
	v9 =	vadd.s32 v58, v9  }
0x16f: {  	v9 =	vadd.s32 v59, v9;
	_ =	sdelay $0x3  }
0x170: {  	v10 =	vld.idx.msk [tilespmem:v10+s21+$0x0], $0xffff  }
0x171: {  	v9 =	vld.idx.msk [tilespmem:v9+s21+$0x0], $0xffff;
	_ =	sdelay $0x4  }
0x172: {  	v9 =	vmul.f32 v9, v10;
	_ =	sdelay $0x1  }
0x173: {  	v9 =	vpsel !p0, $0x3F800000, v9  }
0x174: {  	v8 =	vmul.f32 v9, v8;
	_ =	sdelay $0x1  }
0x175: {  	[tilespmem:$0xD900] =	vst v8  }
0x176: {  	v60 =	vld.idx.msk [tilespmem:v4+s22+$0x0], $0xffff;
	_ =	sdelay $0x4  }
0x177: {  	v8 =	vmul.f32 v8, v60;
	_ =	sdelay $0x1  }
0x178: {  	[tilespmem:$0xD900] =	vst v8  }
0x179: {  	v61 =	vld.idx.msk [tilespmem:v5+s22+$0x0], $0xffff;
	_ =	sdelay $0x4  }
0x17a: {  	v8 =	vmul.f32 v61, v8;
	_ =	sdelay $0x1  }
0x17b: {  	[tilespmem:$0xD900] =	vst v8  }
0x17c: {  	v62 =	vld.idx.msk [tilespmem:v6+s22+$0x0], $0xffff;
	_ =	sdelay $0x4  }
0x17d: {  	v8 =	vmul.f32 v62, v8;
	_ =	sdelay $0x1  }
0x17e: {  	[tilespmem:$0xD900] =	vst v8  }
0x17f: {  	v63 =	vld.idx.msk [tilespmem:v7+s22+$0x0], $0xffff;
	_ =	sdelay $0x4  }
0x180: {  	v8 =	vmul.f32 v63, v8;
	_ =	sdelay $0x1  }
0x181: {  	[tilespmem:$0xD900] =	vst v8  }
0x182: {  	[hbm4b:s9+s4] =	stream.linear.scatter [tilespmem:s22], [sflag:$0x3], $0x10, $0x38;
	[tilespmem:$0xDA00] =	vst v63  }
0x183: {  	_ =	swait.ge [sflag:s20], $0x10  }
0x184: {  	[sflag:s20] =	ssyncset.done $0x0  }
0x185: {  	[sflag:s20] =	ssyncadd.s32 $0xFFFFFFF0  }
0x186: {  	s1 =	simm.s32 @!p2 $0xD880;
	s0 =	simm.s32 @!p2 $0x0;
	s2 =	rddreg [dreg:$0x1]  }
0x187: {  	[tilespmem:s1], [sflag:$0x3] =	stream.linear.gather @!p2 [hbm4b:s2+s0], $0x80, $0x38;
	[tilespmem:$0xDA00] =	vst v63  }
0x188: {  	s2 =	simm.s32 @!p2 $0x3  }
0x189: {  	_ =	swait.ge @!p2 [sflag:s2], $0x80  }
0x18a: {  	[sflag:s2] =	ssyncset.done @!p2 $0x0  }
0x18b: {  	[sflag:s2] =	ssyncadd.s32 @!p2 $0xFFFFFF80  }
0x18c: {  	v8 =	vld @!p2 [tilespmem:$0xD880]  }
0x18d: {  	v9 =	vld @!p2 [tilespmem:$0xD890];
	_ =	sdelay $0x3  }
0x18e: {  	(xrf2) =	vadd.scan.msk.f32 @!p2 $0xffff, v8  }
0x18f: {  	(xrf2) =	vadd.scan.msk.f32 @!p2 $0xffff, v9;
	_ =	sdelay $0x8  }
0x190: {  	v8, _, _ =	vpop @!p2 (xrf2)  }
0x191: {  	(v2sf) =	vpush @!p2 v8, $0xF;
	v9, _, _ =	vpop @!p2 (xrf2)  }
0x192: {  	(v2sf) =	vpush @!p2 v9, $0xF;
	_ =	sdelay $0xd  }
0x193: {  	s3 =	spop @!p2 (v2sf)  }
0x194: {  	s13 =	spop @!p2 (v2sf)  }
0x195: {  	s3 =	sadd.f32 @!p2 s13, s3;
	_ =	sdelay $0x1  }
0x196: {  	v11 =	vbroadcast @!p2 v8, $0xF;
	v10 =	vmov @!p2 s3  }
0x197: {  	v12 =	vmul.f32 @!p2 $8.901331420e-01, v10  }
0x198: {  	v9 =	vadd.f32 @!p2 v11, v9  }
0x199: {  	vm0 =	vlt.f32 @!p2 v8, v12;
	v8 =	vimm.s32 @!p2 $0x0  }
0x19a: {  	v11 =	vsel @!p2 vm0, $0x1, v8;
	vm0 =	vlt.f32 @!p2 v9, v12  }
0x19b: {  	(xrf0) =	vadd.scan.msk.s32 @!p2 $0xffff, v11;
	v8 =	vsel @!p2 vm0, $0x1, v8  }
0x19c: {  	(xrf0) =	vadd.scan.msk.s32 @!p2 $0xffff, v8;
	_ =	sdelay $0x4  }
0x19d: {  	v8, _, _ =	vpop @!p2 (xrf0)  }
0x19e: {  	(v2sf) =	vpush @!p2 v8, $0xF;
	v8, _, _ =	vpop @!p2 (xrf0)  }
0x19f: {  	(v2sf) =	vpush @!p2 v8, $0xF;
	_ =	sdelay $0xd  }
0x1a0: {  	s3 =	spop @!p2 (v2sf)  }
0x1a1: {  	s13 =	spop @!p2 (v2sf)  }
0x1a2: {  	s3 =	sadd.s32 @!p2 s13, s3  }
0x1a3: {  	v8 =	vmov @!p2 s3  }
0x1a4: {  	vm0 =	vlt.s32 @!p2 v8, $0x1F  }
0x1a5: {  	v9 =	vadd.f32 @!p2 $1.000000010e-10, v10;
	v8 =	vnsel @!p2 vm0, $0x1F, v8  }
0x1a6: {  	v8 =	vbroadcast @!p2 v8, $0x0  }
0x1a7: {  	(erf) = vrcp.f32 @!p2 v9;
	_ =	sdelay $0x4  }
0x1a8: {  	v8 =	vld.idx.msk @!p2 [tilespmem:v8+s1+$0x0], $0xffff;
	_ =	sdelay $0x3  }
0x1a9: {  	v9 =	vpop @!p2 (erf)  }
0x1aa: {  	s23 =	sadd.s32 $0x1, s23;
	v8 =	vmul.f32 @!p2 v9, v8  }
0x1ab: {  	p3 =	sne.s32 s23, s17  }
.Ltmp2:
0x1ac: {  	s1 =	simm.s32 @!p2 $0xD980;
	[tilespmem:$0xD980] =	vst @!p2 v8;
	(pc) =	sbr.rel @p3 .LBB2_1-.Ltmp2, $4  }
0x1ad: {  	[hbm4b:s6+s0] =	stream.linear.scatter @!p2 [tilespmem:s1], [sflag:$0x3], $0x80, $0x38;
	[tilespmem:$0xDA00] =	vst v63  }
0x1ae: {  	_ =	swait.ge @!p2 [sflag:s2], $0x80  }
0x1af: {  	[sflag:s2] =	ssyncset.done @!p2 $0x0  }
0x1b0: {  	[sflag:s2] =	ssyncadd.s32 @!p2 $0xFFFFFF80  }
0x1b1: {  	_ =	sfence.sel $0x180000  }
0x1b2: {  	[bflag:$0x0] =	sbarrier.arrive $0xFFFF  }
0x1b3: {  	_ =	strace $0x90000047  }
0x1b4: {  	s0 =	stileid.u32;
	[bflag:$0x2] =	sbarrier.arrive $0xFFFF  }
0x1b5: {  	p0 =	sne.s32 s0, $0x0;
	s0 =	rddreg [dreg:$0x3]  }
0x1b6: {  	s0 =	sadd.s32 @!p0 $0x100000, s0  }
0x1b7: {  	[sflag:s0] =	ssyncadd.tile.s32 @!p0 $0x1;
	_ =	shalt  }
.Lfunc_end2:
_tile_overlayer_lowered:
.L_overlay_start_2:
0x1b8: {  	(tag) =	ssettag $0x2  }
0x1b9: {  	s0 =	rddreg [dreg:$0x0];
	s2 =	stileid.u32  }
0x1ba: {  	s1 =	rddreg [dreg:$0x1];
	p0 =	sne.s32 s2, $0x0  }
0x1bb: {  	s3 =	rddreg [dreg:$0x2];
	[bflag:$0x3] =	sbarrier.arrive $0xFFFF;
	s2 =	simm.s32 @!p0 $0x1C03  }
0x1bc: {  	[timem:s3], [sflag:s2] =	dma.local @!p0 [hbm:s0], s1  }
0x1bd: {  	s0 =	simm.s32 @!p0 $0x3  }
0x1be: {  	_ =	swait.ge @!p0 [sflag:s0], s1  }
0x1bf: {  	s1 =	ssub.s32 @!p0 $0x0, s1;
	[sflag:s0] =	ssyncset.done @!p0 $0x0  }
0x1c0: {  	[sflag:s0] =	ssyncadd.s32 @!p0 s1  }
0x1c1: {  	[bflag:$0x3] =	sbarrier.arrive $0xFFFF  }
0x1c2: {  	_ =	shalt  }

</sc_bundles>
